<compile_context>
chip_gen: v7x
topology: tpu7x:2x2x1
jax: 0.10.2.dev20260603
libtpu: 0.0.44.dev20260713+nightly
codegen_flags: <defaults>
</compile_context>

<pallas_src>
import functools

import jax
import jax.numpy as jnp
from jax import lax
from jax.experimental import pallas as pl
from jax.experimental.pallas import tpu as pltpu
from jax.experimental.pallas import tpu_sc as plsc

_EMBED = 64
_NW = 32
_CHUNK = 128
_NBUF = 8
_SCALE = 8.0


def _body(x3, table, out, idx_v, gbufs, *sems):
    gsem = sems[:_NBUF]
    ssem = sems[_NBUF:]
    n_chunks = idx_v.shape[0]

    cid = lax.axis_index("c")
    sid = lax.axis_index("s")
    wid = cid * 16 + sid
    base = wid * n_chunks

    pltpu.sync_copy(x3.at[pl.ds(base, n_chunks)], idx_v)

    def gather(c, b):
        return pltpu.make_async_copy(table.at[idx_v.at[c]], gbufs.at[b], gsem[b])

    def scatter(c, b):
        return pltpu.make_async_copy(gbufs.at[b], out.at[base + c], ssem[b])

    for b in range(_NBUF):
        gather(b, b).start()

    def round_body(g, _):
        for b in range(_NBUF):
            c = g * _NBUF + b
            gather(c, b).wait()
            scatter(c, b).start()

            @pl.when(c + _NBUF < n_chunks)
            def _():
                scatter(c, b).wait()
                gather(c + _NBUF, b).start()
        return 0

    lax.fori_loop(0, n_chunks // _NBUF, round_body, 0)

    for b in range(_NBUF):
        scatter(n_chunks - _NBUF + b, b).wait()


def kernel(x, embedding):
    batch, hist = x.shape
    n = batch * hist
    assert n % (_NW * _CHUNK) == 0
    n_blocks = n // _CHUNK
    n_chunks = n_blocks // _NW

    x3 = x.reshape(n_blocks, _CHUNK)

    mesh = plsc.VectorSubcoreMesh(core_axis_name="c", subcore_axis_name="s")
    run = pl.kernel(
        _body,
        out_type=jax.ShapeDtypeStruct((n_blocks, _CHUNK, _EMBED), jnp.float32),
        mesh=mesh,
        scratch_types=[
            pltpu.VMEM((n_chunks, _CHUNK), jnp.int32),
            pltpu.VMEM((_NBUF, _CHUNK, _EMBED), jnp.float32),
        ] + [pltpu.SemaphoreType.DMA] * (2 * _NBUF),
        compiler_params=pltpu.CompilerParams(use_tc_tiling_on_sc=False),
    )
    out = run(x3, embedding)
    return out.reshape(batch, hist, _EMBED) * jnp.float32(_SCALE)

# --- scband reference (transcript-rebuilt; emitter-appended) ---
"""Pipeline reference for scband-embedder-2491081032210 (READ-ONLY COPY).

The authoritative reference and input builder live on the scoring server;
editing this copy changes nothing except your own understanding.
"""

import jax, jax.numpy as jnp
import numpy as np

VOCAB = 1000000
EMBED = 64
BATCH = 4096
HIST = 200


def setup_inputs(seed: int = 0) -> dict:
    key = jax.random.key(seed)
    k1, k2 = jax.random.split(key)
    x = jax.random.randint(k1, (BATCH, HIST), 0, VOCAB, dtype=jnp.int32)
    # variance_scaling(scale=1.0, mode='fan_in', distribution='normal', in_axis=1, out_axis=0)
    # fan_in = shape[in_axis] = EMBED, so std = sqrt(1.0 / EMBED)
    std = np.sqrt(1.0 / EMBED).astype(np.float32)
    embedding = jax.random.normal(k2, (VOCAB, EMBED), dtype=jnp.float32) * std
    return {"x": x, "embedding": embedding}


def reference(x, embedding):
    # Embedder.encode: gather rows, promote dtype (float32), optional sqrt(dim) scale
    out = embedding[x,]
    out = out.astype(jnp.float32)
    scale = jnp.sqrt(jnp.float32(EMBED)).astype(jnp.bfloat16)
    out = out * scale
    return out

if __name__ == "__main__":
    import jax
    _d = setup_inputs()
    print(jax.jit(kernel)(*tuple(_d.values())))

</pallas_src>

<mosaic_0001>
#map = affine_map<(d0, d1) -> (0, 0)>
#map1 = affine_map<(d0, d1) -> (0, 0, 0)>
module attributes {stable_mosaic.version = 14 : i64} {
  func.func @_body(%arg0: i32, %arg1: i32, %arg2: memref<6400x128xi32, #tpu.memory_space<hbm>>, %arg3: memref<1000000x64xf32, #tpu.memory_space<hbm>>, %arg4: memref<6400x128x64xf32, #tpu.memory_space<hbm>>, %arg5: memref<200x128xi32, #tpu.memory_space<vmem>>, %arg6: memref<8x128x64xf32, #tpu.memory_space<vmem>>, %arg7: memref<!tpu.dma_semaphore, #tpu.memory_space<semaphore_mem>>, %arg8: memref<!tpu.dma_semaphore, #tpu.memory_space<semaphore_mem>>, %arg9: memref<!tpu.dma_semaphore, #tpu.memory_space<semaphore_mem>>, %arg10: memref<!tpu.dma_semaphore, #tpu.memory_space<semaphore_mem>>, %arg11: memref<!tpu.dma_semaphore, #tpu.memory_space<semaphore_mem>>, %arg12: memref<!tpu.dma_semaphore, #tpu.memory_space<semaphore_mem>>, %arg13: memref<!tpu.dma_semaphore, #tpu.memory_space<semaphore_mem>>, %arg14: memref<!tpu.dma_semaphore, #tpu.memory_space<semaphore_mem>>, %arg15: memref<!tpu.dma_semaphore, #tpu.memory_space<semaphore_mem>>, %arg16: memref<!tpu.dma_semaphore, #tpu.memory_space<semaphore_mem>>, %arg17: memref<!tpu.dma_semaphore, #tpu.memory_space<semaphore_mem>>, %arg18: memref<!tpu.dma_semaphore, #tpu.memory_space<semaphore_mem>>, %arg19: memref<!tpu.dma_semaphore, #tpu.memory_space<semaphore_mem>>, %arg20: memref<!tpu.dma_semaphore, #tpu.memory_space<semaphore_mem>>, %arg21: memref<!tpu.dma_semaphore, #tpu.memory_space<semaphore_mem>>, %arg22: memref<!tpu.dma_semaphore, #tpu.memory_space<semaphore_mem>>) attributes {dimension_semantics = [#tpu.dimension_semantics<core_parallel>, #tpu.dimension_semantics<subcore_parallel>], iteration_bounds = array<i64: 2, 16>, scalar_prefetch = 0 : i64, scratch_operands = 18 : i64, tpu.core_type = #tpu.core_type<sc_vector_subcore>, window_params = [{transform_indices = #map}, {transform_indices = #map}, {transform_indices = #map1}]} {
    %mul3A = arith.constant 16 : i32
    %mul3A_0 = arith.muli %arg0, %mul3A : i32
    %add3A = arith.addi %mul3A_0, %arg1 : i32
    %mul3A_1 = arith.constant 200 : i32
    %mul3A_2 = arith.muli %add3A, %mul3A_1 : i32
    "tpu.region"() ({
      %run_scoped3A = tpu.sem_alloc : memref<!tpu.dma_semaphore, #tpu.memory_space<semaphore_mem>>
      %dma_start3A_255 = arith.constant 0 : i32
      %dma_start3A_256 = tpu.memref_slice %arg2[%mul3A_2, %dma_start3A_255] : memref<6400x128xi32, #tpu.memory_space<hbm>> -> memref<200x128xi32, #tpu.memory_space<hbm>>
      %dma_start3A_257 = arith.constant 0 : i32
      %dma_start3A_258 = tpu.memref_slice %arg2[%mul3A_2, %dma_start3A_257] : memref<6400x128xi32, #tpu.memory_space<hbm>> -> memref<200x128xi32, #tpu.memory_space<hbm>>
      tpu.enqueue_dma source(%dma_start3A_258 : memref<200x128xi32, #tpu.memory_space<hbm>>) target(%arg5 : memref<200x128xi32, #tpu.memory_space<vmem>>) target_semaphore(%run_scoped3A : memref<!tpu.dma_semaphore, #tpu.memory_space<semaphore_mem>>)
      %dma_wait3A_259 = arith.constant 0 : i32
      %dma_wait3A_260 = tpu.memref_slice %arg2[%mul3A_2, %dma_wait3A_259] : memref<6400x128xi32, #tpu.memory_space<hbm>> -> memref<200x128xi32, #tpu.memory_space<hbm>>
      %dma_wait3A_261 = arith.constant 0 : i32
      %dma_wait3A_262 = tpu.memref_slice %arg2[%mul3A_2, %dma_wait3A_261] : memref<6400x128xi32, #tpu.memory_space<hbm>> -> memref<200x128xi32, #tpu.memory_space<hbm>>
      tpu.wait_dma2 semaphore(%run_scoped3A : memref<!tpu.dma_semaphore, #tpu.memory_space<semaphore_mem>>) src(%dma_wait3A_262 : memref<200x128xi32, #tpu.memory_space<hbm>>) dst(%arg5 : memref<200x128xi32, #tpu.memory_space<vmem>>)
      tpu.yield
    }) : () -> ()
    %dma_start3A = arith.constant 0 : i32
    %dma_start3A_3 = arith.constant 0 : i32
    %dma_start3A_4 = arith.constant 0 : i32
    %dma_start3A_5 = arith.constant 0 : i32
    %dma_start3A_6 = tpu.memref_slice %arg6[%dma_start3A_3, %dma_start3A_4, %dma_start3A_5] : memref<8x128x64xf32, #tpu.memory_space<vmem>> -> memref<1x128x64xf32, #tpu.memory_space<vmem>>
    %dma_start3A_7 = tpu.memref_squeeze %dma_start3A_6 : memref<1x128x64xf32, #tpu.memory_space<vmem>> -> memref<128x64xf32, #tpu.memory_space<vmem>>
    %dma_start3A_8 = arith.constant 0 : i32
    %dma_start3A_9 = tpu.memref_slice %arg5[%dma_start3A, %dma_start3A_8] : memref<200x128xi32, #tpu.memory_space<vmem>> -> memref<1x128xi32, #tpu.memory_space<vmem>>
    %dma_start3A_10 = tpu.memref_squeeze %dma_start3A_9 : memref<1x128xi32, #tpu.memory_space<vmem>> -> memref<128xi32, #tpu.memory_space<vmem>>
    %dma_start3A_11 = arith.constant 0 : i32
    %dma_start3A_12 = arith.constant 0 : i32
    %dma_start3A_13 = tpu.memref_slice %arg3[%dma_start3A_11, %dma_start3A_12] : memref<1000000x64xf32, #tpu.memory_space<hbm>> -> memref<1000000x64xf32, #tpu.memory_space<hbm>>
    tpu.enqueue_indirect_dma source(%dma_start3A_13 : memref<1000000x64xf32, #tpu.memory_space<hbm>>) target(%dma_start3A_7 : memref<128x64xf32, #tpu.memory_space<vmem>>) offsets(%dma_start3A_10 : memref<128xi32, #tpu.memory_space<vmem>>) semaphore(%arg7 : memref<!tpu.dma_semaphore, #tpu.memory_space<semaphore_mem>>)
    %dma_start3A_14 = arith.constant 1 : i32
    %dma_start3A_15 = arith.constant 1 : i32
    %dma_start3A_16 = arith.constant 0 : i32
    %dma_start3A_17 = arith.constant 0 : i32
    %dma_start3A_18 = tpu.memref_slice %arg6[%dma_start3A_15, %dma_start3A_16, %dma_start3A_17] : memref<8x128x64xf32, #tpu.memory_space<vmem>> -> memref<1x128x64xf32, #tpu.memory_space<vmem>>
    %dma_start3A_19 = tpu.memref_squeeze %dma_start3A_18 : memref<1x128x64xf32, #tpu.memory_space<vmem>> -> memref<128x64xf32, #tpu.memory_space<vmem>>
    %dma_start3A_20 = arith.constant 0 : i32
    %dma_start3A_21 = tpu.memref_slice %arg5[%dma_start3A_14, %dma_start3A_20] : memref<200x128xi32, #tpu.memory_space<vmem>> -> memref<1x128xi32, #tpu.memory_space<vmem>>
    %dma_start3A_22 = tpu.memref_squeeze %dma_start3A_21 : memref<1x128xi32, #tpu.memory_space<vmem>> -> memref<128xi32, #tpu.memory_space<vmem>>
    %dma_start3A_23 = arith.constant 0 : i32
    %dma_start3A_24 = arith.constant 0 : i32
    %dma_start3A_25 = tpu.memref_slice %arg3[%dma_start3A_23, %dma_start3A_24] : memref<1000000x64xf32, #tpu.memory_space<hbm>> -> memref<1000000x64xf32, #tpu.memory_space<hbm>>
    tpu.enqueue_indirect_dma source(%dma_start3A_25 : memref<1000000x64xf32, #tpu.memory_space<hbm>>) target(%dma_start3A_19 : memref<128x64xf32, #tpu.memory_space<vmem>>) offsets(%dma_start3A_22 : memref<128xi32, #tpu.memory_space<vmem>>) semaphore(%arg8 : memref<!tpu.dma_semaphore, #tpu.memory_space<semaphore_mem>>)
    %dma_start3A_26 = arith.constant 2 : i32
    %dma_start3A_27 = arith.constant 2 : i32
    %dma_start3A_28 = arith.constant 0 : i32
    %dma_start3A_29 = arith.constant 0 : i32
    %dma_start3A_30 = tpu.memref_slice %arg6[%dma_start3A_27, %dma_start3A_28, %dma_start3A_29] : memref<8x128x64xf32, #tpu.memory_space<vmem>> -> memref<1x128x64xf32, #tpu.memory_space<vmem>>
    %dma_start3A_31 = tpu.memref_squeeze %dma_start3A_30 : memref<1x128x64xf32, #tpu.memory_space<vmem>> -> memref<128x64xf32, #tpu.memory_space<vmem>>
    %dma_start3A_32 = arith.constant 0 : i32
    %dma_start3A_33 = tpu.memref_slice %arg5[%dma_start3A_26, %dma_start3A_32] : memref<200x128xi32, #tpu.memory_space<vmem>> -> memref<1x128xi32, #tpu.memory_space<vmem>>
    %dma_start3A_34 = tpu.memref_squeeze %dma_start3A_33 : memref<1x128xi32, #tpu.memory_space<vmem>> -> memref<128xi32, #tpu.memory_space<vmem>>
    %dma_start3A_35 = arith.constant 0 : i32
    %dma_start3A_36 = arith.constant 0 : i32
    %dma_start3A_37 = tpu.memref_slice %arg3[%dma_start3A_35, %dma_start3A_36] : memref<1000000x64xf32, #tpu.memory_space<hbm>> -> memref<1000000x64xf32, #tpu.memory_space<hbm>>
    tpu.enqueue_indirect_dma source(%dma_start3A_37 : memref<1000000x64xf32, #tpu.memory_space<hbm>>) target(%dma_start3A_31 : memref<128x64xf32, #tpu.memory_space<vmem>>) offsets(%dma_start3A_34 : memref<128xi32, #tpu.memory_space<vmem>>) semaphore(%arg9 : memref<!tpu.dma_semaphore, #tpu.memory_space<semaphore_mem>>)
    %dma_start3A_38 = arith.constant 3 : i32
    %dma_start3A_39 = arith.constant 3 : i32
    %dma_start3A_40 = arith.constant 0 : i32
    %dma_start3A_41 = arith.constant 0 : i32
    %dma_start3A_42 = tpu.memref_slice %arg6[%dma_start3A_39, %dma_start3A_40, %dma_start3A_41] : memref<8x128x64xf32, #tpu.memory_space<vmem>> -> memref<1x128x64xf32, #tpu.memory_space<vmem>>
    %dma_start3A_43 = tpu.memref_squeeze %dma_start3A_42 : memref<1x128x64xf32, #tpu.memory_space<vmem>> -> memref<128x64xf32, #tpu.memory_space<vmem>>
    %dma_start3A_44 = arith.constant 0 : i32
    %dma_start3A_45 = tpu.memref_slice %arg5[%dma_start3A_38, %dma_start3A_44] : memref<200x128xi32, #tpu.memory_space<vmem>> -> memref<1x128xi32, #tpu.memory_space<vmem>>
    %dma_start3A_46 = tpu.memref_squeeze %dma_start3A_45 : memref<1x128xi32, #tpu.memory_space<vmem>> -> memref<128xi32, #tpu.memory_space<vmem>>
    %dma_start3A_47 = arith.constant 0 : i32
    %dma_start3A_48 = arith.constant 0 : i32
    %dma_start3A_49 = tpu.memref_slice %arg3[%dma_start3A_47, %dma_start3A_48] : memref<1000000x64xf32, #tpu.memory_space<hbm>> -> memref<1000000x64xf32, #tpu.memory_space<hbm>>
    tpu.enqueue_indirect_dma source(%dma_start3A_49 : memref<1000000x64xf32, #tpu.memory_space<hbm>>) target(%dma_start3A_43 : memref<128x64xf32, #tpu.memory_space<vmem>>) offsets(%dma_start3A_46 : memref<128xi32, #tpu.memory_space<vmem>>) semaphore(%arg10 : memref<!tpu.dma_semaphore, #tpu.memory_space<semaphore_mem>>)
    %dma_start3A_50 = arith.constant 4 : i32
    %dma_start3A_51 = arith.constant 4 : i32
    %dma_start3A_52 = arith.constant 0 : i32
    %dma_start3A_53 = arith.constant 0 : i32
    %dma_start3A_54 = tpu.memref_slice %arg6[%dma_start3A_51, %dma_start3A_52, %dma_start3A_53] : memref<8x128x64xf32, #tpu.memory_space<vmem>> -> memref<1x128x64xf32, #tpu.memory_space<vmem>>
    %dma_start3A_55 = tpu.memref_squeeze %dma_start3A_54 : memref<1x128x64xf32, #tpu.memory_space<vmem>> -> memref<128x64xf32, #tpu.memory_space<vmem>>
    %dma_start3A_56 = arith.constant 0 : i32
    %dma_start3A_57 = tpu.memref_slice %arg5[%dma_start3A_50, %dma_start3A_56] : memref<200x128xi32, #tpu.memory_space<vmem>> -> memref<1x128xi32, #tpu.memory_space<vmem>>
    %dma_start3A_58 = tpu.memref_squeeze %dma_start3A_57 : memref<1x128xi32, #tpu.memory_space<vmem>> -> memref<128xi32, #tpu.memory_space<vmem>>
    %dma_start3A_59 = arith.constant 0 : i32
    %dma_start3A_60 = arith.constant 0 : i32
    %dma_start3A_61 = tpu.memref_slice %arg3[%dma_start3A_59, %dma_start3A_60] : memref<1000000x64xf32, #tpu.memory_space<hbm>> -> memref<1000000x64xf32, #tpu.memory_space<hbm>>
    tpu.enqueue_indirect_dma source(%dma_start3A_61 : memref<1000000x64xf32, #tpu.memory_space<hbm>>) target(%dma_start3A_55 : memref<128x64xf32, #tpu.memory_space<vmem>>) offsets(%dma_start3A_58 : memref<128xi32, #tpu.memory_space<vmem>>) semaphore(%arg11 : memref<!tpu.dma_semaphore, #tpu.memory_space<semaphore_mem>>)
    %dma_start3A_62 = arith.constant 5 : i32
    %dma_start3A_63 = arith.constant 5 : i32
    %dma_start3A_64 = arith.constant 0 : i32
    %dma_start3A_65 = arith.constant 0 : i32
    %dma_start3A_66 = tpu.memref_slice %arg6[%dma_start3A_63, %dma_start3A_64, %dma_start3A_65] : memref<8x128x64xf32, #tpu.memory_space<vmem>> -> memref<1x128x64xf32, #tpu.memory_space<vmem>>
    %dma_start3A_67 = tpu.memref_squeeze %dma_start3A_66 : memref<1x128x64xf32, #tpu.memory_space<vmem>> -> memref<128x64xf32, #tpu.memory_space<vmem>>
    %dma_start3A_68 = arith.constant 0 : i32
    %dma_start3A_69 = tpu.memref_slice %arg5[%dma_start3A_62, %dma_start3A_68] : memref<200x128xi32, #tpu.memory_space<vmem>> -> memref<1x128xi32, #tpu.memory_space<vmem>>
    %dma_start3A_70 = tpu.memref_squeeze %dma_start3A_69 : memref<1x128xi32, #tpu.memory_space<vmem>> -> memref<128xi32, #tpu.memory_space<vmem>>
    %dma_start3A_71 = arith.constant 0 : i32
    %dma_start3A_72 = arith.constant 0 : i32
    %dma_start3A_73 = tpu.memref_slice %arg3[%dma_start3A_71, %dma_start3A_72] : memref<1000000x64xf32, #tpu.memory_space<hbm>> -> memref<1000000x64xf32, #tpu.memory_space<hbm>>
    tpu.enqueue_indirect_dma source(%dma_start3A_73 : memref<1000000x64xf32, #tpu.memory_space<hbm>>) target(%dma_start3A_67 : memref<128x64xf32, #tpu.memory_space<vmem>>) offsets(%dma_start3A_70 : memref<128xi32, #tpu.memory_space<vmem>>) semaphore(%arg12 : memref<!tpu.dma_semaphore, #tpu.memory_space<semaphore_mem>>)
    %dma_start3A_74 = arith.constant 6 : i32
    %dma_start3A_75 = arith.constant 6 : i32
    %dma_start3A_76 = arith.constant 0 : i32
    %dma_start3A_77 = arith.constant 0 : i32
    %dma_start3A_78 = tpu.memref_slice %arg6[%dma_start3A_75, %dma_start3A_76, %dma_start3A_77] : memref<8x128x64xf32, #tpu.memory_space<vmem>> -> memref<1x128x64xf32, #tpu.memory_space<vmem>>
    %dma_start3A_79 = tpu.memref_squeeze %dma_start3A_78 : memref<1x128x64xf32, #tpu.memory_space<vmem>> -> memref<128x64xf32, #tpu.memory_space<vmem>>
    %dma_start3A_80 = arith.constant 0 : i32
    %dma_start3A_81 = tpu.memref_slice %arg5[%dma_start3A_74, %dma_start3A_80] : memref<200x128xi32, #tpu.memory_space<vmem>> -> memref<1x128xi32, #tpu.memory_space<vmem>>
    %dma_start3A_82 = tpu.memref_squeeze %dma_start3A_81 : memref<1x128xi32, #tpu.memory_space<vmem>> -> memref<128xi32, #tpu.memory_space<vmem>>
    %dma_start3A_83 = arith.constant 0 : i32
    %dma_start3A_84 = arith.constant 0 : i32
    %dma_start3A_85 = tpu.memref_slice %arg3[%dma_start3A_83, %dma_start3A_84] : memref<1000000x64xf32, #tpu.memory_space<hbm>> -> memref<1000000x64xf32, #tpu.memory_space<hbm>>
    tpu.enqueue_indirect_dma source(%dma_start3A_85 : memref<1000000x64xf32, #tpu.memory_space<hbm>>) target(%dma_start3A_79 : memref<128x64xf32, #tpu.memory_space<vmem>>) offsets(%dma_start3A_82 : memref<128xi32, #tpu.memory_space<vmem>>) semaphore(%arg13 : memref<!tpu.dma_semaphore, #tpu.memory_space<semaphore_mem>>)
    %dma_start3A_86 = arith.constant 7 : i32
    %dma_start3A_87 = arith.constant 7 : i32
    %dma_start3A_88 = arith.constant 0 : i32
    %dma_start3A_89 = arith.constant 0 : i32
    %dma_start3A_90 = tpu.memref_slice %arg6[%dma_start3A_87, %dma_start3A_88, %dma_start3A_89] : memref<8x128x64xf32, #tpu.memory_space<vmem>> -> memref<1x128x64xf32, #tpu.memory_space<vmem>>
    %dma_start3A_91 = tpu.memref_squeeze %dma_start3A_90 : memref<1x128x64xf32, #tpu.memory_space<vmem>> -> memref<128x64xf32, #tpu.memory_space<vmem>>
    %dma_start3A_92 = arith.constant 0 : i32
    %dma_start3A_93 = tpu.memref_slice %arg5[%dma_start3A_86, %dma_start3A_92] : memref<200x128xi32, #tpu.memory_space<vmem>> -> memref<1x128xi32, #tpu.memory_space<vmem>>
    %dma_start3A_94 = tpu.memref_squeeze %dma_start3A_93 : memref<1x128xi32, #tpu.memory_space<vmem>> -> memref<128xi32, #tpu.memory_space<vmem>>
    %dma_start3A_95 = arith.constant 0 : i32
    %dma_start3A_96 = arith.constant 0 : i32
    %dma_start3A_97 = tpu.memref_slice %arg3[%dma_start3A_95, %dma_start3A_96] : memref<1000000x64xf32, #tpu.memory_space<hbm>> -> memref<1000000x64xf32, #tpu.memory_space<hbm>>
    tpu.enqueue_indirect_dma source(%dma_start3A_97 : memref<1000000x64xf32, #tpu.memory_space<hbm>>) target(%dma_start3A_91 : memref<128x64xf32, #tpu.memory_space<vmem>>) offsets(%dma_start3A_94 : memref<128xi32, #tpu.memory_space<vmem>>) semaphore(%arg14 : memref<!tpu.dma_semaphore, #tpu.memory_space<semaphore_mem>>)
    %scan3A = arith.constant 0 : i32
    %scan3A_98 = arith.constant 0 : i32
    %scan3A_99 = arith.constant 25 : i32
    %scan3A_100 = arith.addi %scan3A_98, %scan3A_99 : i32
    %scan3A_101 = arith.constant 1 : i32
    %scan3A_102 = scf.for %scan3A_255 = %scan3A_98 to %scan3A_100 step %scan3A_101 iter_args(%scan3A_256 = %scan3A) -> (i32)  : i32 {
      %mul3A_257 = arith.constant 8 : i32
      %mul3A_258 = arith.muli %scan3A_255, %mul3A_257 : i32
      %add3A_259 = arith.constant 0 : i32
      %add3A_260 = arith.addi %mul3A_258, %add3A_259 : i32
      %dma_wait3A_261 = arith.constant 0 : i32
      %dma_wait3A_262 = arith.constant 0 : i32
      %dma_wait3A_263 = arith.constant 0 : i32
      %dma_wait3A_264 = tpu.memref_slice %arg6[%dma_wait3A_261, %dma_wait3A_262, %dma_wait3A_263] : memref<8x128x64xf32, #tpu.memory_space<vmem>> -> memref<1x128x64xf32, #tpu.memory_space<vmem>>
      %dma_wait3A_265 = tpu.memref_squeeze %dma_wait3A_264 : memref<1x128x64xf32, #tpu.memory_space<vmem>> -> memref<128x64xf32, #tpu.memory_space<vmem>>
      %dma_wait3A_266 = arith.constant 0 : i32
      %dma_wait3A_267 = tpu.memref_slice %arg5[%add3A_260, %dma_wait3A_266] : memref<200x128xi32, #tpu.memory_space<vmem>> -> memref<1x128xi32, #tpu.memory_space<vmem>>
      %dma_wait3A_268 = tpu.memref_squeeze %dma_wait3A_267 : memref<1x128xi32, #tpu.memory_space<vmem>> -> memref<128xi32, #tpu.memory_space<vmem>>
      %dma_wait3A_269 = arith.constant 0 : i32
      %dma_wait3A_270 = arith.constant 0 : i32
      %dma_wait3A_271 = tpu.memref_slice %arg3[%dma_wait3A_269, %dma_wait3A_270] : memref<1000000x64xf32, #tpu.memory_space<hbm>> -> memref<1000000x64xf32, #tpu.memory_space<hbm>>
      tpu.wait_indirect_dma semaphore(%arg7 : memref<!tpu.dma_semaphore, #tpu.memory_space<semaphore_mem>>) src(%dma_wait3A_271 : memref<1000000x64xf32, #tpu.memory_space<hbm>>) dst(%dma_wait3A_265 : memref<128x64xf32, #tpu.memory_space<vmem>>)
      %add3A_272 = arith.addi %mul3A_2, %add3A_260 : i32
      %dma_start3A_273 = arith.constant 0 : i32
      %dma_start3A_274 = arith.constant 0 : i32
      %dma_start3A_275 = arith.constant 0 : i32
      %dma_start3A_276 = tpu.memref_slice %arg6[%dma_start3A_273, %dma_start3A_274, %dma_start3A_275] : memref<8x128x64xf32, #tpu.memory_space<vmem>> -> memref<1x128x64xf32, #tpu.memory_space<vmem>>
      %dma_start3A_277 = tpu.memref_squeeze %dma_start3A_276 : memref<1x128x64xf32, #tpu.memory_space<vmem>> -> memref<128x64xf32, #tpu.memory_space<vmem>>
      %dma_start3A_278 = arith.constant 0 : i32
      %dma_start3A_279 = arith.constant 0 : i32
      %dma_start3A_280 = tpu.memref_slice %arg4[%add3A_272, %dma_start3A_278, %dma_start3A_279] : memref<6400x128x64xf32, #tpu.memory_space<hbm>> -> memref<1x128x64xf32, #tpu.memory_space<hbm>>
      %dma_start3A_281 = tpu.memref_squeeze %dma_start3A_280 : memref<1x128x64xf32, #tpu.memory_space<hbm>> -> memref<128x64xf32, #tpu.memory_space<hbm>>
      %dma_start3A_282 = arith.constant 0 : i32
      %dma_start3A_283 = arith.constant 0 : i32
      %dma_start3A_284 = tpu.memref_slice %arg4[%add3A_272, %dma_start3A_282, %dma_start3A_283] : memref<6400x128x64xf32, #tpu.memory_space<hbm>> -> memref<1x128x64xf32, #tpu.memory_space<hbm>>
      %dma_start3A_285 = tpu.memref_squeeze %dma_start3A_284 : memref<1x128x64xf32, #tpu.memory_space<hbm>> -> memref<128x64xf32, #tpu.memory_space<hbm>>
      %dma_start3A_286 = arith.constant 0 : i32
      %dma_start3A_287 = arith.constant 0 : i32
      %dma_start3A_288 = tpu.memref_slice %arg6[%dma_start3A_273, %dma_start3A_286, %dma_start3A_287] : memref<8x128x64xf32, #tpu.memory_space<vmem>> -> memref<1x128x64xf32, #tpu.memory_space<vmem>>
      %dma_start3A_289 = tpu.memref_squeeze %dma_start3A_288 : memref<1x128x64xf32, #tpu.memory_space<vmem>> -> memref<128x64xf32, #tpu.memory_space<vmem>>
      tpu.enqueue_dma source(%dma_start3A_289 : memref<128x64xf32, #tpu.memory_space<vmem>>) target(%dma_start3A_285 : memref<128x64xf32, #tpu.memory_space<hbm>>) target_semaphore(%arg15 : memref<!tpu.dma_semaphore, #tpu.memory_space<semaphore_mem>>)
      %add3A_290 = arith.constant 8 : i32
      %add3A_291 = arith.addi %add3A_260, %add3A_290 : i32
      %lt3A = arith.constant 200 : i32
      %lt3A_292 = arith.cmpi slt, %add3A_291, %lt3A : i32
      %convert_element_type3A = arith.extui %lt3A_292 : i1 to i32
      %cond3A = arith.constant 0 : i32
      %cond3A_293 = arith.cmpi ne, %convert_element_type3A, %cond3A : i32
      scf.if %cond3A_293 {
        %add3A_575 = arith.addi %mul3A_2, %add3A_260 : i32
        %dma_wait3A_576 = arith.constant 0 : i32
        %dma_wait3A_577 = arith.constant 0 : i32
        %dma_wait3A_578 = arith.constant 0 : i32
        %dma_wait3A_579 = tpu.memref_slice %arg6[%dma_wait3A_576, %dma_wait3A_577, %dma_wait3A_578] : memref<8x128x64xf32, #tpu.memory_space<vmem>> -> memref<1x128x64xf32, #tpu.memory_space<vmem>>
        %dma_wait3A_580 = tpu.memref_squeeze %dma_wait3A_579 : memref<1x128x64xf32, #tpu.memory_space<vmem>> -> memref<128x64xf32, #tpu.memory_space<vmem>>
        %dma_wait3A_581 = arith.constant 0 : i32
        %dma_wait3A_582 = arith.constant 0 : i32
        %dma_wait3A_583 = tpu.memref_slice %arg4[%add3A_575, %dma_wait3A_581, %dma_wait3A_582] : memref<6400x128x64xf32, #tpu.memory_space<hbm>> -> memref<1x128x64xf32, #tpu.memory_space<hbm>>
        %dma_wait3A_584 = tpu.memref_squeeze %dma_wait3A_583 : memref<1x128x64xf32, #tpu.memory_space<hbm>> -> memref<128x64xf32, #tpu.memory_space<hbm>>
        %dma_wait3A_585 = arith.constant 0 : i32
        %dma_wait3A_586 = arith.constant 0 : i32
        %dma_wait3A_587 = tpu.memref_slice %arg4[%add3A_575, %dma_wait3A_585, %dma_wait3A_586] : memref<6400x128x64xf32, #tpu.memory_space<hbm>> -> memref<1x128x64xf32, #tpu.memory_space<hbm>>
        %dma_wait3A_588 = tpu.memref_squeeze %dma_wait3A_587 : memref<1x128x64xf32, #tpu.memory_space<hbm>> -> memref<128x64xf32, #tpu.memory_space<hbm>>
        %dma_wait3A_589 = arith.constant 0 : i32
        %dma_wait3A_590 = arith.constant 0 : i32
        %dma_wait3A_591 = tpu.memref_slice %arg6[%dma_wait3A_576, %dma_wait3A_589, %dma_wait3A_590] : memref<8x128x64xf32, #tpu.memory_space<vmem>> -> memref<1x128x64xf32, #tpu.memory_space<vmem>>
        %dma_wait3A_592 = tpu.memref_squeeze %dma_wait3A_591 : memref<1x128x64xf32, #tpu.memory_space<vmem>> -> memref<128x64xf32, #tpu.memory_space<vmem>>
        tpu.wait_dma2 semaphore(%arg15 : memref<!tpu.dma_semaphore, #tpu.memory_space<semaphore_mem>>) src(%dma_wait3A_592 : memref<128x64xf32, #tpu.memory_space<vmem>>) dst(%dma_wait3A_588 : memref<128x64xf32, #tpu.memory_space<hbm>>)
        %add3A_593 = arith.constant 8 : i32
        %add3A_594 = arith.addi %add3A_260, %add3A_593 : i32
        %dma_start3A_595 = arith.constant 0 : i32
        %dma_start3A_596 = arith.constant 0 : i32
        %dma_start3A_597 = arith.constant 0 : i32
        %dma_start3A_598 = tpu.memref_slice %arg6[%dma_start3A_595, %dma_start3A_596, %dma_start3A_597] : memref<8x128x64xf32, #tpu.memory_space<vmem>> -> memref<1x128x64xf32, #tpu.memory_space<vmem>>
        %dma_start3A_599 = tpu.memref_squeeze %dma_start3A_598 : memref<1x128x64xf32, #tpu.memory_space<vmem>> -> memref<128x64xf32, #tpu.memory_space<vmem>>
        %dma_start3A_600 = arith.constant 0 : i32
        %dma_start3A_601 = tpu.memref_slice %arg5[%add3A_594, %dma_start3A_600] : memref<200x128xi32, #tpu.memory_space<vmem>> -> memref<1x128xi32, #tpu.memory_space<vmem>>
        %dma_start3A_602 = tpu.memref_squeeze %dma_start3A_601 : memref<1x128xi32, #tpu.memory_space<vmem>> -> memref<128xi32, #tpu.memory_space<vmem>>
        %dma_start3A_603 = arith.constant 0 : i32
        %dma_start3A_604 = arith.constant 0 : i32
        %dma_start3A_605 = tpu.memref_slice %arg3[%dma_start3A_603, %dma_start3A_604] : memref<1000000x64xf32, #tpu.memory_space<hbm>> -> memref<1000000x64xf32, #tpu.memory_space<hbm>>
        tpu.enqueue_indirect_dma source(%dma_start3A_605 : memref<1000000x64xf32, #tpu.memory_space<hbm>>) target(%dma_start3A_599 : memref<128x64xf32, #tpu.memory_space<vmem>>) offsets(%dma_start3A_602 : memref<128xi32, #tpu.memory_space<vmem>>) semaphore(%arg7 : memref<!tpu.dma_semaphore, #tpu.memory_space<semaphore_mem>>)
      } else {
      }
      %mul3A_294 = arith.constant 8 : i32
      %mul3A_295 = arith.muli %scan3A_255, %mul3A_294 : i32
      %add3A_296 = arith.constant 1 : i32
      %add3A_297 = arith.addi %mul3A_295, %add3A_296 : i32
      %dma_wait3A_298 = arith.constant 1 : i32
      %dma_wait3A_299 = arith.constant 0 : i32
      %dma_wait3A_300 = arith.constant 0 : i32
      %dma_wait3A_301 = tpu.memref_slice %arg6[%dma_wait3A_298, %dma_wait3A_299, %dma_wait3A_300] : memref<8x128x64xf32, #tpu.memory_space<vmem>> -> memref<1x128x64xf32, #tpu.memory_space<vmem>>
      %dma_wait3A_302 = tpu.memref_squeeze %dma_wait3A_301 : memref<1x128x64xf32, #tpu.memory_space<vmem>> -> memref<128x64xf32, #tpu.memory_space<vmem>>
      %dma_wait3A_303 = arith.constant 0 : i32
      %dma_wait3A_304 = tpu.memref_slice %arg5[%add3A_297, %dma_wait3A_303] : memref<200x128xi32, #tpu.memory_space<vmem>> -> memref<1x128xi32, #tpu.memory_space<vmem>>
      %dma_wait3A_305 = tpu.memref_squeeze %dma_wait3A_304 : memref<1x128xi32, #tpu.memory_space<vmem>> -> memref<128xi32, #tpu.memory_space<vmem>>
      %dma_wait3A_306 = arith.constant 0 : i32
      %dma_wait3A_307 = arith.constant 0 : i32
      %dma_wait3A_308 = tpu.memref_slice %arg3[%dma_wait3A_306, %dma_wait3A_307] : memref<1000000x64xf32, #tpu.memory_space<hbm>> -> memref<1000000x64xf32, #tpu.memory_space<hbm>>
      tpu.wait_indirect_dma semaphore(%arg8 : memref<!tpu.dma_semaphore, #tpu.memory_space<semaphore_mem>>) src(%dma_wait3A_308 : memref<1000000x64xf32, #tpu.memory_space<hbm>>) dst(%dma_wait3A_302 : memref<128x64xf32, #tpu.memory_space<vmem>>)
      %add3A_309 = arith.addi %mul3A_2, %add3A_297 : i32
      %dma_start3A_310 = arith.constant 1 : i32
      %dma_start3A_311 = arith.constant 0 : i32
      %dma_start3A_312 = arith.constant 0 : i32
      %dma_start3A_313 = tpu.memref_slice %arg6[%dma_start3A_310, %dma_start3A_311, %dma_start3A_312] : memref<8x128x64xf32, #tpu.memory_space<vmem>> -> memref<1x128x64xf32, #tpu.memory_space<vmem>>
      %dma_start3A_314 = tpu.memref_squeeze %dma_start3A_313 : memref<1x128x64xf32, #tpu.memory_space<vmem>> -> memref<128x64xf32, #tpu.memory_space<vmem>>
      %dma_start3A_315 = arith.constant 0 : i32
      %dma_start3A_316 = arith.constant 0 : i32
      %dma_start3A_317 = tpu.memref_slice %arg4[%add3A_309, %dma_start3A_315, %dma_start3A_316] : memref<6400x128x64xf32, #tpu.memory_space<hbm>> -> memref<1x128x64xf32, #tpu.memory_space<hbm>>
      %dma_start3A_318 = tpu.memref_squeeze %dma_start3A_317 : memref<1x128x64xf32, #tpu.memory_space<hbm>> -> memref<128x64xf32, #tpu.memory_space<hbm>>
      %dma_start3A_319 = arith.constant 0 : i32
      %dma_start3A_320 = arith.constant 0 : i32
      %dma_start3A_321 = tpu.memref_slice %arg4[%add3A_309, %dma_start3A_319, %dma_start3A_320] : memref<6400x128x64xf32, #tpu.memory_space<hbm>> -> memref<1x128x64xf32, #tpu.memory_space<hbm>>
      %dma_start3A_322 = tpu.memref_squeeze %dma_start3A_321 : memref<1x128x64xf32, #tpu.memory_space<hbm>> -> memref<128x64xf32, #tpu.memory_space<hbm>>
      %dma_start3A_323 = arith.constant 0 : i32
      %dma_start3A_324 = arith.constant 0 : i32
      %dma_start3A_325 = tpu.memref_slice %arg6[%dma_start3A_310, %dma_start3A_323, %dma_start3A_324] : memref<8x128x64xf32, #tpu.memory_space<vmem>> -> memref<1x128x64xf32, #tpu.memory_space<vmem>>
      %dma_start3A_326 = tpu.memref_squeeze %dma_start3A_325 : memref<1x128x64xf32, #tpu.memory_space<vmem>> -> memref<128x64xf32, #tpu.memory_space<vmem>>
      tpu.enqueue_dma source(%dma_start3A_326 : memref<128x64xf32, #tpu.memory_space<vmem>>) target(%dma_start3A_322 : memref<128x64xf32, #tpu.memory_space<hbm>>) target_semaphore(%arg16 : memref<!tpu.dma_semaphore, #tpu.memory_space<semaphore_mem>>)
      %add3A_327 = arith.constant 8 : i32
      %add3A_328 = arith.addi %add3A_297, %add3A_327 : i32
      %lt3A_329 = arith.constant 200 : i32
      %lt3A_330 = arith.cmpi slt, %add3A_328, %lt3A_329 : i32
      %convert_element_type3A_331 = arith.extui %lt3A_330 : i1 to i32
      %cond3A_332 = arith.constant 0 : i32
      %cond3A_333 = arith.cmpi ne, %convert_element_type3A_331, %cond3A_332 : i32
      scf.if %cond3A_333 {
        %add3A_575 = arith.addi %mul3A_2, %add3A_297 : i32
        %dma_wait3A_576 = arith.constant 1 : i32
        %dma_wait3A_577 = arith.constant 0 : i32
        %dma_wait3A_578 = arith.constant 0 : i32
        %dma_wait3A_579 = tpu.memref_slice %arg6[%dma_wait3A_576, %dma_wait3A_577, %dma_wait3A_578] : memref<8x128x64xf32, #tpu.memory_space<vmem>> -> memref<1x128x64xf32, #tpu.memory_space<vmem>>
        %dma_wait3A_580 = tpu.memref_squeeze %dma_wait3A_579 : memref<1x128x64xf32, #tpu.memory_space<vmem>> -> memref<128x64xf32, #tpu.memory_space<vmem>>
        %dma_wait3A_581 = arith.constant 0 : i32
        %dma_wait3A_582 = arith.constant 0 : i32
        %dma_wait3A_583 = tpu.memref_slice %arg4[%add3A_575, %dma_wait3A_581, %dma_wait3A_582] : memref<6400x128x64xf32, #tpu.memory_space<hbm>> -> memref<1x128x64xf32, #tpu.memory_space<hbm>>
        %dma_wait3A_584 = tpu.memref_squeeze %dma_wait3A_583 : memref<1x128x64xf32, #tpu.memory_space<hbm>> -> memref<128x64xf32, #tpu.memory_space<hbm>>
        %dma_wait3A_585 = arith.constant 0 : i32
        %dma_wait3A_586 = arith.constant 0 : i32
        %dma_wait3A_587 = tpu.memref_slice %arg4[%add3A_575, %dma_wait3A_585, %dma_wait3A_586] : memref<6400x128x64xf32, #tpu.memory_space<hbm>> -> memref<1x128x64xf32, #tpu.memory_space<hbm>>
        %dma_wait3A_588 = tpu.memref_squeeze %dma_wait3A_587 : memref<1x128x64xf32, #tpu.memory_space<hbm>> -> memref<128x64xf32, #tpu.memory_space<hbm>>
        %dma_wait3A_589 = arith.constant 0 : i32
        %dma_wait3A_590 = arith.constant 0 : i32
        %dma_wait3A_591 = tpu.memref_slice %arg6[%dma_wait3A_576, %dma_wait3A_589, %dma_wait3A_590] : memref<8x128x64xf32, #tpu.memory_space<vmem>> -> memref<1x128x64xf32, #tpu.memory_space<vmem>>
        %dma_wait3A_592 = tpu.memref_squeeze %dma_wait3A_591 : memref<1x128x64xf32, #tpu.memory_space<vmem>> -> memref<128x64xf32, #tpu.memory_space<vmem>>
        tpu.wait_dma2 semaphore(%arg16 : memref<!tpu.dma_semaphore, #tpu.memory_space<semaphore_mem>>) src(%dma_wait3A_592 : memref<128x64xf32, #tpu.memory_space<vmem>>) dst(%dma_wait3A_588 : memref<128x64xf32, #tpu.memory_space<hbm>>)
        %add3A_593 = arith.constant 8 : i32
        %add3A_594 = arith.addi %add3A_297, %add3A_593 : i32
        %dma_start3A_595 = arith.constant 1 : i32
        %dma_start3A_596 = arith.constant 0 : i32
        %dma_start3A_597 = arith.constant 0 : i32
        %dma_start3A_598 = tpu.memref_slice %arg6[%dma_start3A_595, %dma_start3A_596, %dma_start3A_597] : memref<8x128x64xf32, #tpu.memory_space<vmem>> -> memref<1x128x64xf32, #tpu.memory_space<vmem>>
        %dma_start3A_599 = tpu.memref_squeeze %dma_start3A_598 : memref<1x128x64xf32, #tpu.memory_space<vmem>> -> memref<128x64xf32, #tpu.memory_space<vmem>>
        %dma_start3A_600 = arith.constant 0 : i32
        %dma_start3A_601 = tpu.memref_slice %arg5[%add3A_594, %dma_start3A_600] : memref<200x128xi32, #tpu.memory_space<vmem>> -> memref<1x128xi32, #tpu.memory_space<vmem>>
        %dma_start3A_602 = tpu.memref_squeeze %dma_start3A_601 : memref<1x128xi32, #tpu.memory_space<vmem>> -> memref<128xi32, #tpu.memory_space<vmem>>
        %dma_start3A_603 = arith.constant 0 : i32
        %dma_start3A_604 = arith.constant 0 : i32
        %dma_start3A_605 = tpu.memref_slice %arg3[%dma_start3A_603, %dma_start3A_604] : memref<1000000x64xf32, #tpu.memory_space<hbm>> -> memref<1000000x64xf32, #tpu.memory_space<hbm>>
        tpu.enqueue_indirect_dma source(%dma_start3A_605 : memref<1000000x64xf32, #tpu.memory_space<hbm>>) target(%dma_start3A_599 : memref<128x64xf32, #tpu.memory_space<vmem>>) offsets(%dma_start3A_602 : memref<128xi32, #tpu.memory_space<vmem>>) semaphore(%arg8 : memref<!tpu.dma_semaphore, #tpu.memory_space<semaphore_mem>>)
      } else {
      }
      %mul3A_334 = arith.constant 8 : i32
      %mul3A_335 = arith.muli %scan3A_255, %mul3A_334 : i32
      %add3A_336 = arith.constant 2 : i32
      %add3A_337 = arith.addi %mul3A_335, %add3A_336 : i32
      %dma_wait3A_338 = arith.constant 2 : i32
      %dma_wait3A_339 = arith.constant 0 : i32
      %dma_wait3A_340 = arith.constant 0 : i32
      %dma_wait3A_341 = tpu.memref_slice %arg6[%dma_wait3A_338, %dma_wait3A_339, %dma_wait3A_340] : memref<8x128x64xf32, #tpu.memory_space<vmem>> -> memref<1x128x64xf32, #tpu.memory_space<vmem>>
      %dma_wait3A_342 = tpu.memref_squeeze %dma_wait3A_341 : memref<1x128x64xf32, #tpu.memory_space<vmem>> -> memref<128x64xf32, #tpu.memory_space<vmem>>
      %dma_wait3A_343 = arith.constant 0 : i32
      %dma_wait3A_344 = tpu.memref_slice %arg5[%add3A_337, %dma_wait3A_343] : memref<200x128xi32, #tpu.memory_space<vmem>> -> memref<1x128xi32, #tpu.memory_space<vmem>>
      %dma_wait3A_345 = tpu.memref_squeeze %dma_wait3A_344 : memref<1x128xi32, #tpu.memory_space<vmem>> -> memref<128xi32, #tpu.memory_space<vmem>>
      %dma_wait3A_346 = arith.constant 0 : i32
      %dma_wait3A_347 = arith.constant 0 : i32
      %dma_wait3A_348 = tpu.memref_slice %arg3[%dma_wait3A_346, %dma_wait3A_347] : memref<1000000x64xf32, #tpu.memory_space<hbm>> -> memref<1000000x64xf32, #tpu.memory_space<hbm>>
      tpu.wait_indirect_dma semaphore(%arg9 : memref<!tpu.dma_semaphore, #tpu.memory_space<semaphore_mem>>) src(%dma_wait3A_348 : memref<1000000x64xf32, #tpu.memory_space<hbm>>) dst(%dma_wait3A_342 : memref<128x64xf32, #tpu.memory_space<vmem>>)
      %add3A_349 = arith.addi %mul3A_2, %add3A_337 : i32
      %dma_start3A_350 = arith.constant 2 : i32
      %dma_start3A_351 = arith.constant 0 : i32
      %dma_start3A_352 = arith.constant 0 : i32
      %dma_start3A_353 = tpu.memref_slice %arg6[%dma_start3A_350, %dma_start3A_351, %dma_start3A_352] : memref<8x128x64xf32, #tpu.memory_space<vmem>> -> memref<1x128x64xf32, #tpu.memory_space<vmem>>
      %dma_start3A_354 = tpu.memref_squeeze %dma_start3A_353 : memref<1x128x64xf32, #tpu.memory_space<vmem>> -> memref<128x64xf32, #tpu.memory_space<vmem>>
      %dma_start3A_355 = arith.constant 0 : i32
      %dma_start3A_356 = arith.constant 0 : i32
      %dma_start3A_357 = tpu.memref_slice %arg4[%add3A_349, %dma_start3A_355, %dma_start3A_356] : memref<6400x128x64xf32, #tpu.memory_space<hbm>> -> memref<1x128x64xf32, #tpu.memory_space<hbm>>
      %dma_start3A_358 = tpu.memref_squeeze %dma_start3A_357 : memref<1x128x64xf32, #tpu.memory_space<hbm>> -> memref<128x64xf32, #tpu.memory_space<hbm>>
      %dma_start3A_359 = arith.constant 0 : i32
      %dma_start3A_360 = arith.constant 0 : i32
      %dma_start3A_361 = tpu.memref_slice %arg4[%add3A_349, %dma_start3A_359, %dma_start3A_360] : memref<6400x128x64xf32, #tpu.memory_space<hbm>> -> memref<1x128x64xf32, #tpu.memory_space<hbm>>
      %dma_start3A_362 = tpu.memref_squeeze %dma_start3A_361 : memref<1x128x64xf32, #tpu.memory_space<hbm>> -> memref<128x64xf32, #tpu.memory_space<hbm>>
      %dma_start3A_363 = arith.constant 0 : i32
      %dma_start3A_364 = arith.constant 0 : i32
      %dma_start3A_365 = tpu.memref_slice %arg6[%dma_start3A_350, %dma_start3A_363, %dma_start3A_364] : memref<8x128x64xf32, #tpu.memory_space<vmem>> -> memref<1x128x64xf32, #tpu.memory_space<vmem>>
      %dma_start3A_366 = tpu.memref_squeeze %dma_start3A_365 : memref<1x128x64xf32, #tpu.memory_space<vmem>> -> memref<128x64xf32, #tpu.memory_space<vmem>>
      tpu.enqueue_dma source(%dma_start3A_366 : memref<128x64xf32, #tpu.memory_space<vmem>>) target(%dma_start3A_362 : memref<128x64xf32, #tpu.memory_space<hbm>>) target_semaphore(%arg17 : memref<!tpu.dma_semaphore, #tpu.memory_space<semaphore_mem>>)
      %add3A_367 = arith.constant 8 : i32
      %add3A_368 = arith.addi %add3A_337, %add3A_367 : i32
      %lt3A_369 = arith.constant 200 : i32
      %lt3A_370 = arith.cmpi slt, %add3A_368, %lt3A_369 : i32
      %convert_element_type3A_371 = arith.extui %lt3A_370 : i1 to i32
      %cond3A_372 = arith.constant 0 : i32
      %cond3A_373 = arith.cmpi ne, %convert_element_type3A_371, %cond3A_372 : i32
      scf.if %cond3A_373 {
        %add3A_575 = arith.addi %mul3A_2, %add3A_337 : i32
        %dma_wait3A_576 = arith.constant 2 : i32
        %dma_wait3A_577 = arith.constant 0 : i32
        %dma_wait3A_578 = arith.constant 0 : i32
        %dma_wait3A_579 = tpu.memref_slice %arg6[%dma_wait3A_576, %dma_wait3A_577, %dma_wait3A_578] : memref<8x128x64xf32, #tpu.memory_space<vmem>> -> memref<1x128x64xf32, #tpu.memory_space<vmem>>
        %dma_wait3A_580 = tpu.memref_squeeze %dma_wait3A_579 : memref<1x128x64xf32, #tpu.memory_space<vmem>> -> memref<128x64xf32, #tpu.memory_space<vmem>>
        %dma_wait3A_581 = arith.constant 0 : i32
        %dma_wait3A_582 = arith.constant 0 : i32
        %dma_wait3A_583 = tpu.memref_slice %arg4[%add3A_575, %dma_wait3A_581, %dma_wait3A_582] : memref<6400x128x64xf32, #tpu.memory_space<hbm>> -> memref<1x128x64xf32, #tpu.memory_space<hbm>>
        %dma_wait3A_584 = tpu.memref_squeeze %dma_wait3A_583 : memref<1x128x64xf32, #tpu.memory_space<hbm>> -> memref<128x64xf32, #tpu.memory_space<hbm>>
        %dma_wait3A_585 = arith.constant 0 : i32
        %dma_wait3A_586 = arith.constant 0 : i32
        %dma_wait3A_587 = tpu.memref_slice %arg4[%add3A_575, %dma_wait3A_585, %dma_wait3A_586] : memref<6400x128x64xf32, #tpu.memory_space<hbm>> -> memref<1x128x64xf32, #tpu.memory_space<hbm>>
        %dma_wait3A_588 = tpu.memref_squeeze %dma_wait3A_587 : memref<1x128x64xf32, #tpu.memory_space<hbm>> -> memref<128x64xf32, #tpu.memory_space<hbm>>
        %dma_wait3A_589 = arith.constant 0 : i32
        %dma_wait3A_590 = arith.constant 0 : i32
        %dma_wait3A_591 = tpu.memref_slice %arg6[%dma_wait3A_576, %dma_wait3A_589, %dma_wait3A_590] : memref<8x128x64xf32, #tpu.memory_space<vmem>> -> memref<1x128x64xf32, #tpu.memory_space<vmem>>
        %dma_wait3A_592 = tpu.memref_squeeze %dma_wait3A_591 : memref<1x128x64xf32, #tpu.memory_space<vmem>> -> memref<128x64xf32, #tpu.memory_space<vmem>>
        tpu.wait_dma2 semaphore(%arg17 : memref<!tpu.dma_semaphore, #tpu.memory_space<semaphore_mem>>) src(%dma_wait3A_592 : memref<128x64xf32, #tpu.memory_space<vmem>>) dst(%dma_wait3A_588 : memref<128x64xf32, #tpu.memory_space<hbm>>)
        %add3A_593 = arith.constant 8 : i32
        %add3A_594 = arith.addi %add3A_337, %add3A_593 : i32
        %dma_start3A_595 = arith.constant 2 : i32
        %dma_start3A_596 = arith.constant 0 : i32
        %dma_start3A_597 = arith.constant 0 : i32
        %dma_start3A_598 = tpu.memref_slice %arg6[%dma_start3A_595, %dma_start3A_596, %dma_start3A_597] : memref<8x128x64xf32, #tpu.memory_space<vmem>> -> memref<1x128x64xf32, #tpu.memory_space<vmem>>
        %dma_start3A_599 = tpu.memref_squeeze %dma_start3A_598 : memref<1x128x64xf32, #tpu.memory_space<vmem>> -> memref<128x64xf32, #tpu.memory_space<vmem>>
        %dma_start3A_600 = arith.constant 0 : i32
        %dma_start3A_601 = tpu.memref_slice %arg5[%add3A_594, %dma_start3A_600] : memref<200x128xi32, #tpu.memory_space<vmem>> -> memref<1x128xi32, #tpu.memory_space<vmem>>
        %dma_start3A_602 = tpu.memref_squeeze %dma_start3A_601 : memref<1x128xi32, #tpu.memory_space<vmem>> -> memref<128xi32, #tpu.memory_space<vmem>>
        %dma_start3A_603 = arith.constant 0 : i32
        %dma_start3A_604 = arith.constant 0 : i32
        %dma_start3A_605 = tpu.memref_slice %arg3[%dma_start3A_603, %dma_start3A_604] : memref<1000000x64xf32, #tpu.memory_space<hbm>> -> memref<1000000x64xf32, #tpu.memory_space<hbm>>
        tpu.enqueue_indirect_dma source(%dma_start3A_605 : memref<1000000x64xf32, #tpu.memory_space<hbm>>) target(%dma_start3A_599 : memref<128x64xf32, #tpu.memory_space<vmem>>) offsets(%dma_start3A_602 : memref<128xi32, #tpu.memory_space<vmem>>) semaphore(%arg9 : memref<!tpu.dma_semaphore, #tpu.memory_space<semaphore_mem>>)
      } else {
      }
      %mul3A_374 = arith.constant 8 : i32
      %mul3A_375 = arith.muli %scan3A_255, %mul3A_374 : i32
      %add3A_376 = arith.constant 3 : i32
      %add3A_377 = arith.addi %mul3A_375, %add3A_376 : i32
      %dma_wait3A_378 = arith.constant 3 : i32
      %dma_wait3A_379 = arith.constant 0 : i32
      %dma_wait3A_380 = arith.constant 0 : i32
      %dma_wait3A_381 = tpu.memref_slice %arg6[%dma_wait3A_378, %dma_wait3A_379, %dma_wait3A_380] : memref<8x128x64xf32, #tpu.memory_space<vmem>> -> memref<1x128x64xf32, #tpu.memory_space<vmem>>
      %dma_wait3A_382 = tpu.memref_squeeze %dma_wait3A_381 : memref<1x128x64xf32, #tpu.memory_space<vmem>> -> memref<128x64xf32, #tpu.memory_space<vmem>>
      %dma_wait3A_383 = arith.constant 0 : i32
      %dma_wait3A_384 = tpu.memref_slice %arg5[%add3A_377, %dma_wait3A_383] : memref<200x128xi32, #tpu.memory_space<vmem>> -> memref<1x128xi32, #tpu.memory_space<vmem>>
      %dma_wait3A_385 = tpu.memref_squeeze %dma_wait3A_384 : memref<1x128xi32, #tpu.memory_space<vmem>> -> memref<128xi32, #tpu.memory_space<vmem>>
      %dma_wait3A_386 = arith.constant 0 : i32
      %dma_wait3A_387 = arith.constant 0 : i32
      %dma_wait3A_388 = tpu.memref_slice %arg3[%dma_wait3A_386, %dma_wait3A_387] : memref<1000000x64xf32, #tpu.memory_space<hbm>> -> memref<1000000x64xf32, #tpu.memory_space<hbm>>
      tpu.wait_indirect_dma semaphore(%arg10 : memref<!tpu.dma_semaphore, #tpu.memory_space<semaphore_mem>>) src(%dma_wait3A_388 : memref<1000000x64xf32, #tpu.memory_space<hbm>>) dst(%dma_wait3A_382 : memref<128x64xf32, #tpu.memory_space<vmem>>)
      %add3A_389 = arith.addi %mul3A_2, %add3A_377 : i32
      %dma_start3A_390 = arith.constant 3 : i32
      %dma_start3A_391 = arith.constant 0 : i32
      %dma_start3A_392 = arith.constant 0 : i32
      %dma_start3A_393 = tpu.memref_slice %arg6[%dma_start3A_390, %dma_start3A_391, %dma_start3A_392] : memref<8x128x64xf32, #tpu.memory_space<vmem>> -> memref<1x128x64xf32, #tpu.memory_space<vmem>>
      %dma_start3A_394 = tpu.memref_squeeze %dma_start3A_393 : memref<1x128x64xf32, #tpu.memory_space<vmem>> -> memref<128x64xf32, #tpu.memory_space<vmem>>
      %dma_start3A_395 = arith.constant 0 : i32
      %dma_start3A_396 = arith.constant 0 : i32
      %dma_start3A_397 = tpu.memref_slice %arg4[%add3A_389, %dma_start3A_395, %dma_start3A_396] : memref<6400x128x64xf32, #tpu.memory_space<hbm>> -> memref<1x128x64xf32, #tpu.memory_space<hbm>>
      %dma_start3A_398 = tpu.memref_squeeze %dma_start3A_397 : memref<1x128x64xf32, #tpu.memory_space<hbm>> -> memref<128x64xf32, #tpu.memory_space<hbm>>
      %dma_start3A_399 = arith.constant 0 : i32
      %dma_start3A_400 = arith.constant 0 : i32
      %dma_start3A_401 = tpu.memref_slice %arg4[%add3A_389, %dma_start3A_399, %dma_start3A_400] : memref<6400x128x64xf32, #tpu.memory_space<hbm>> -> memref<1x128x64xf32, #tpu.memory_space<hbm>>
      %dma_start3A_402 = tpu.memref_squeeze %dma_start3A_401 : memref<1x128x64xf32, #tpu.memory_space<hbm>> -> memref<128x64xf32, #tpu.memory_space<hbm>>
      %dma_start3A_403 = arith.constant 0 : i32
      %dma_start3A_404 = arith.constant 0 : i32
      %dma_start3A_405 = tpu.memref_slice %arg6[%dma_start3A_390, %dma_start3A_403, %dma_start3A_404] : memref<8x128x64xf32, #tpu.memory_space<vmem>> -> memref<1x128x64xf32, #tpu.memory_space<vmem>>
      %dma_start3A_406 = tpu.memref_squeeze %dma_start3A_405 : memref<1x128x64xf32, #tpu.memory_space<vmem>> -> memref<128x64xf32, #tpu.memory_space<vmem>>
      tpu.enqueue_dma source(%dma_start3A_406 : memref<128x64xf32, #tpu.memory_space<vmem>>) target(%dma_start3A_402 : memref<128x64xf32, #tpu.memory_space<hbm>>) target_semaphore(%arg18 : memref<!tpu.dma_semaphore, #tpu.memory_space<semaphore_mem>>)
      %add3A_407 = arith.constant 8 : i32
      %add3A_408 = arith.addi %add3A_377, %add3A_407 : i32
      %lt3A_409 = arith.constant 200 : i32
      %lt3A_410 = arith.cmpi slt, %add3A_408, %lt3A_409 : i32
      %convert_element_type3A_411 = arith.extui %lt3A_410 : i1 to i32
      %cond3A_412 = arith.constant 0 : i32
      %cond3A_413 = arith.cmpi ne, %convert_element_type3A_411, %cond3A_412 : i32
      scf.if %cond3A_413 {
        %add3A_575 = arith.addi %mul3A_2, %add3A_377 : i32
        %dma_wait3A_576 = arith.constant 3 : i32
        %dma_wait3A_577 = arith.constant 0 : i32
        %dma_wait3A_578 = arith.constant 0 : i32
        %dma_wait3A_579 = tpu.memref_slice %arg6[%dma_wait3A_576, %dma_wait3A_577, %dma_wait3A_578] : memref<8x128x64xf32, #tpu.memory_space<vmem>> -> memref<1x128x64xf32, #tpu.memory_space<vmem>>
        %dma_wait3A_580 = tpu.memref_squeeze %dma_wait3A_579 : memref<1x128x64xf32, #tpu.memory_space<vmem>> -> memref<128x64xf32, #tpu.memory_space<vmem>>
        %dma_wait3A_581 = arith.constant 0 : i32
        %dma_wait3A_582 = arith.constant 0 : i32
        %dma_wait3A_583 = tpu.memref_slice %arg4[%add3A_575, %dma_wait3A_581, %dma_wait3A_582] : memref<6400x128x64xf32, #tpu.memory_space<hbm>> -> memref<1x128x64xf32, #tpu.memory_space<hbm>>
        %dma_wait3A_584 = tpu.memref_squeeze %dma_wait3A_583 : memref<1x128x64xf32, #tpu.memory_space<hbm>> -> memref<128x64xf32, #tpu.memory_space<hbm>>
        %dma_wait3A_585 = arith.constant 0 : i32
        %dma_wait3A_586 = arith.constant 0 : i32
        %dma_wait3A_587 = tpu.memref_slice %arg4[%add3A_575, %dma_wait3A_585, %dma_wait3A_586] : memref<6400x128x64xf32, #tpu.memory_space<hbm>> -> memref<1x128x64xf32, #tpu.memory_space<hbm>>
        %dma_wait3A_588 = tpu.memref_squeeze %dma_wait3A_587 : memref<1x128x64xf32, #tpu.memory_space<hbm>> -> memref<128x64xf32, #tpu.memory_space<hbm>>
        %dma_wait3A_589 = arith.constant 0 : i32
        %dma_wait3A_590 = arith.constant 0 : i32
        %dma_wait3A_591 = tpu.memref_slice %arg6[%dma_wait3A_576, %dma_wait3A_589, %dma_wait3A_590] : memref<8x128x64xf32, #tpu.memory_space<vmem>> -> memref<1x128x64xf32, #tpu.memory_space<vmem>>
        %dma_wait3A_592 = tpu.memref_squeeze %dma_wait3A_591 : memref<1x128x64xf32, #tpu.memory_space<vmem>> -> memref<128x64xf32, #tpu.memory_space<vmem>>
        tpu.wait_dma2 semaphore(%arg18 : memref<!tpu.dma_semaphore, #tpu.memory_space<semaphore_mem>>) src(%dma_wait3A_592 : memref<128x64xf32, #tpu.memory_space<vmem>>) dst(%dma_wait3A_588 : memref<128x64xf32, #tpu.memory_space<hbm>>)
        %add3A_593 = arith.constant 8 : i32
        %add3A_594 = arith.addi %add3A_377, %add3A_593 : i32
        %dma_start3A_595 = arith.constant 3 : i32
        %dma_start3A_596 = arith.constant 0 : i32
        %dma_start3A_597 = arith.constant 0 : i32
        %dma_start3A_598 = tpu.memref_slice %arg6[%dma_start3A_595, %dma_start3A_596, %dma_start3A_597] : memref<8x128x64xf32, #tpu.memory_space<vmem>> -> memref<1x128x64xf32, #tpu.memory_space<vmem>>
        %dma_start3A_599 = tpu.memref_squeeze %dma_start3A_598 : memref<1x128x64xf32, #tpu.memory_space<vmem>> -> memref<128x64xf32, #tpu.memory_space<vmem>>
        %dma_start3A_600 = arith.constant 0 : i32
        %dma_start3A_601 = tpu.memref_slice %arg5[%add3A_594, %dma_start3A_600] : memref<200x128xi32, #tpu.memory_space<vmem>> -> memref<1x128xi32, #tpu.memory_space<vmem>>
        %dma_start3A_602 = tpu.memref_squeeze %dma_start3A_601 : memref<1x128xi32, #tpu.memory_space<vmem>> -> memref<128xi32, #tpu.memory_space<vmem>>
        %dma_start3A_603 = arith.constant 0 : i32
        %dma_start3A_604 = arith.constant 0 : i32
        %dma_start3A_605 = tpu.memref_slice %arg3[%dma_start3A_603, %dma_start3A_604] : memref<1000000x64xf32, #tpu.memory_space<hbm>> -> memref<1000000x64xf32, #tpu.memory_space<hbm>>
        tpu.enqueue_indirect_dma source(%dma_start3A_605 : memref<1000000x64xf32, #tpu.memory_space<hbm>>) target(%dma_start3A_599 : memref<128x64xf32, #tpu.memory_space<vmem>>) offsets(%dma_start3A_602 : memref<128xi32, #tpu.memory_space<vmem>>) semaphore(%arg10 : memref<!tpu.dma_semaphore, #tpu.memory_space<semaphore_mem>>)
      } else {
      }
      %mul3A_414 = arith.constant 8 : i32
      %mul3A_415 = arith.muli %scan3A_255, %mul3A_414 : i32
      %add3A_416 = arith.constant 4 : i32
      %add3A_417 = arith.addi %mul3A_415, %add3A_416 : i32
      %dma_wait3A_418 = arith.constant 4 : i32
      %dma_wait3A_419 = arith.constant 0 : i32
      %dma_wait3A_420 = arith.constant 0 : i32
      %dma_wait3A_421 = tpu.memref_slice %arg6[%dma_wait3A_418, %dma_wait3A_419, %dma_wait3A_420] : memref<8x128x64xf32, #tpu.memory_space<vmem>> -> memref<1x128x64xf32, #tpu.memory_space<vmem>>
      %dma_wait3A_422 = tpu.memref_squeeze %dma_wait3A_421 : memref<1x128x64xf32, #tpu.memory_space<vmem>> -> memref<128x64xf32, #tpu.memory_space<vmem>>
      %dma_wait3A_423 = arith.constant 0 : i32
      %dma_wait3A_424 = tpu.memref_slice %arg5[%add3A_417, %dma_wait3A_423] : memref<200x128xi32, #tpu.memory_space<vmem>> -> memref<1x128xi32, #tpu.memory_space<vmem>>
      %dma_wait3A_425 = tpu.memref_squeeze %dma_wait3A_424 : memref<1x128xi32, #tpu.memory_space<vmem>> -> memref<128xi32, #tpu.memory_space<vmem>>
      %dma_wait3A_426 = arith.constant 0 : i32
      %dma_wait3A_427 = arith.constant 0 : i32
      %dma_wait3A_428 = tpu.memref_slice %arg3[%dma_wait3A_426, %dma_wait3A_427] : memref<1000000x64xf32, #tpu.memory_space<hbm>> -> memref<1000000x64xf32, #tpu.memory_space<hbm>>
      tpu.wait_indirect_dma semaphore(%arg11 : memref<!tpu.dma_semaphore, #tpu.memory_space<semaphore_mem>>) src(%dma_wait3A_428 : memref<1000000x64xf32, #tpu.memory_space<hbm>>) dst(%dma_wait3A_422 : memref<128x64xf32, #tpu.memory_space<vmem>>)
      %add3A_429 = arith.addi %mul3A_2, %add3A_417 : i32
      %dma_start3A_430 = arith.constant 4 : i32
      %dma_start3A_431 = arith.constant 0 : i32
      %dma_start3A_432 = arith.constant 0 : i32
      %dma_start3A_433 = tpu.memref_slice %arg6[%dma_start3A_430, %dma_start3A_431, %dma_start3A_432] : memref<8x128x64xf32, #tpu.memory_space<vmem>> -> memref<1x128x64xf32, #tpu.memory_space<vmem>>
      %dma_start3A_434 = tpu.memref_squeeze %dma_start3A_433 : memref<1x128x64xf32, #tpu.memory_space<vmem>> -> memref<128x64xf32, #tpu.memory_space<vmem>>
      %dma_start3A_435 = arith.constant 0 : i32
      %dma_start3A_436 = arith.constant 0 : i32
      %dma_start3A_437 = tpu.memref_slice %arg4[%add3A_429, %dma_start3A_435, %dma_start3A_436] : memref<6400x128x64xf32, #tpu.memory_space<hbm>> -> memref<1x128x64xf32, #tpu.memory_space<hbm>>
      %dma_start3A_438 = tpu.memref_squeeze %dma_start3A_437 : memref<1x128x64xf32, #tpu.memory_space<hbm>> -> memref<128x64xf32, #tpu.memory_space<hbm>>
      %dma_start3A_439 = arith.constant 0 : i32
      %dma_start3A_440 = arith.constant 0 : i32
      %dma_start3A_441 = tpu.memref_slice %arg4[%add3A_429, %dma_start3A_439, %dma_start3A_440] : memref<6400x128x64xf32, #tpu.memory_space<hbm>> -> memref<1x128x64xf32, #tpu.memory_space<hbm>>
      %dma_start3A_442 = tpu.memref_squeeze %dma_start3A_441 : memref<1x128x64xf32, #tpu.memory_space<hbm>> -> memref<128x64xf32, #tpu.memory_space<hbm>>
      %dma_start3A_443 = arith.constant 0 : i32
      %dma_start3A_444 = arith.constant 0 : i32
      %dma_start3A_445 = tpu.memref_slice %arg6[%dma_start3A_430, %dma_start3A_443, %dma_start3A_444] : memref<8x128x64xf32, #tpu.memory_space<vmem>> -> memref<1x128x64xf32, #tpu.memory_space<vmem>>
      %dma_start3A_446 = tpu.memref_squeeze %dma_start3A_445 : memref<1x128x64xf32, #tpu.memory_space<vmem>> -> memref<128x64xf32, #tpu.memory_space<vmem>>
      tpu.enqueue_dma source(%dma_start3A_446 : memref<128x64xf32, #tpu.memory_space<vmem>>) target(%dma_start3A_442 : memref<128x64xf32, #tpu.memory_space<hbm>>) target_semaphore(%arg19 : memref<!tpu.dma_semaphore, #tpu.memory_space<semaphore_mem>>)
      %add3A_447 = arith.constant 8 : i32
      %add3A_448 = arith.addi %add3A_417, %add3A_447 : i32
      %lt3A_449 = arith.constant 200 : i32
      %lt3A_450 = arith.cmpi slt, %add3A_448, %lt3A_449 : i32
      %convert_element_type3A_451 = arith.extui %lt3A_450 : i1 to i32
      %cond3A_452 = arith.constant 0 : i32
      %cond3A_453 = arith.cmpi ne, %convert_element_type3A_451, %cond3A_452 : i32
      scf.if %cond3A_453 {
        %add3A_575 = arith.addi %mul3A_2, %add3A_417 : i32
        %dma_wait3A_576 = arith.constant 4 : i32
        %dma_wait3A_577 = arith.constant 0 : i32
        %dma_wait3A_578 = arith.constant 0 : i32
        %dma_wait3A_579 = tpu.memref_slice %arg6[%dma_wait3A_576, %dma_wait3A_577, %dma_wait3A_578] : memref<8x128x64xf32, #tpu.memory_space<vmem>> -> memref<1x128x64xf32, #tpu.memory_space<vmem>>
        %dma_wait3A_580 = tpu.memref_squeeze %dma_wait3A_579 : memref<1x128x64xf32, #tpu.memory_space<vmem>> -> memref<128x64xf32, #tpu.memory_space<vmem>>
        %dma_wait3A_581 = arith.constant 0 : i32
        %dma_wait3A_582 = arith.constant 0 : i32
        %dma_wait3A_583 = tpu.memref_slice %arg4[%add3A_575, %dma_wait3A_581, %dma_wait3A_582] : memref<6400x128x64xf32, #tpu.memory_space<hbm>> -> memref<1x128x64xf32, #tpu.memory_space<hbm>>
        %dma_wait3A_584 = tpu.memref_squeeze %dma_wait3A_583 : memref<1x128x64xf32, #tpu.memory_space<hbm>> -> memref<128x64xf32, #tpu.memory_space<hbm>>
        %dma_wait3A_585 = arith.constant 0 : i32
        %dma_wait3A_586 = arith.constant 0 : i32
        %dma_wait3A_587 = tpu.memref_slice %arg4[%add3A_575, %dma_wait3A_585, %dma_wait3A_586] : memref<6400x128x64xf32, #tpu.memory_space<hbm>> -> memref<1x128x64xf32, #tpu.memory_space<hbm>>
        %dma_wait3A_588 = tpu.memref_squeeze %dma_wait3A_587 : memref<1x128x64xf32, #tpu.memory_space<hbm>> -> memref<128x64xf32, #tpu.memory_space<hbm>>
        %dma_wait3A_589 = arith.constant 0 : i32
        %dma_wait3A_590 = arith.constant 0 : i32
        %dma_wait3A_591 = tpu.memref_slice %arg6[%dma_wait3A_576, %dma_wait3A_589, %dma_wait3A_590] : memref<8x128x64xf32, #tpu.memory_space<vmem>> -> memref<1x128x64xf32, #tpu.memory_space<vmem>>
        %dma_wait3A_592 = tpu.memref_squeeze %dma_wait3A_591 : memref<1x128x64xf32, #tpu.memory_space<vmem>> -> memref<128x64xf32, #tpu.memory_space<vmem>>
        tpu.wait_dma2 semaphore(%arg19 : memref<!tpu.dma_semaphore, #tpu.memory_space<semaphore_mem>>) src(%dma_wait3A_592 : memref<128x64xf32, #tpu.memory_space<vmem>>) dst(%dma_wait3A_588 : memref<128x64xf32, #tpu.memory_space<hbm>>)
        %add3A_593 = arith.constant 8 : i32
        %add3A_594 = arith.addi %add3A_417, %add3A_593 : i32
        %dma_start3A_595 = arith.constant 4 : i32
        %dma_start3A_596 = arith.constant 0 : i32
        %dma_start3A_597 = arith.constant 0 : i32
        %dma_start3A_598 = tpu.memref_slice %arg6[%dma_start3A_595, %dma_start3A_596, %dma_start3A_597] : memref<8x128x64xf32, #tpu.memory_space<vmem>> -> memref<1x128x64xf32, #tpu.memory_space<vmem>>
        %dma_start3A_599 = tpu.memref_squeeze %dma_start3A_598 : memref<1x128x64xf32, #tpu.memory_space<vmem>> -> memref<128x64xf32, #tpu.memory_space<vmem>>
        %dma_start3A_600 = arith.constant 0 : i32
        %dma_start3A_601 = tpu.memref_slice %arg5[%add3A_594, %dma_start3A_600] : memref<200x128xi32, #tpu.memory_space<vmem>> -> memref<1x128xi32, #tpu.memory_space<vmem>>
        %dma_start3A_602 = tpu.memref_squeeze %dma_start3A_601 : memref<1x128xi32, #tpu.memory_space<vmem>> -> memref<128xi32, #tpu.memory_space<vmem>>
        %dma_start3A_603 = arith.constant 0 : i32
        %dma_start3A_604 = arith.constant 0 : i32
        %dma_start3A_605 = tpu.memref_slice %arg3[%dma_start3A_603, %dma_start3A_604] : memref<1000000x64xf32, #tpu.memory_space<hbm>> -> memref<1000000x64xf32, #tpu.memory_space<hbm>>
        tpu.enqueue_indirect_dma source(%dma_start3A_605 : memref<1000000x64xf32, #tpu.memory_space<hbm>>) target(%dma_start3A_599 : memref<128x64xf32, #tpu.memory_space<vmem>>) offsets(%dma_start3A_602 : memref<128xi32, #tpu.memory_space<vmem>>) semaphore(%arg11 : memref<!tpu.dma_semaphore, #tpu.memory_space<semaphore_mem>>)
      } else {
      }
      %mul3A_454 = arith.constant 8 : i32
      %mul3A_455 = arith.muli %scan3A_255, %mul3A_454 : i32
      %add3A_456 = arith.constant 5 : i32
      %add3A_457 = arith.addi %mul3A_455, %add3A_456 : i32
      %dma_wait3A_458 = arith.constant 5 : i32
      %dma_wait3A_459 = arith.constant 0 : i32
      %dma_wait3A_460 = arith.constant 0 : i32
      %dma_wait3A_461 = tpu.memref_slice %arg6[%dma_wait3A_458, %dma_wait3A_459, %dma_wait3A_460] : memref<8x128x64xf32, #tpu.memory_space<vmem>> -> memref<1x128x64xf32, #tpu.memory_space<vmem>>
      %dma_wait3A_462 = tpu.memref_squeeze %dma_wait3A_461 : memref<1x128x64xf32, #tpu.memory_space<vmem>> -> memref<128x64xf32, #tpu.memory_space<vmem>>
      %dma_wait3A_463 = arith.constant 0 : i32
      %dma_wait3A_464 = tpu.memref_slice %arg5[%add3A_457, %dma_wait3A_463] : memref<200x128xi32, #tpu.memory_space<vmem>> -> memref<1x128xi32, #tpu.memory_space<vmem>>
      %dma_wait3A_465 = tpu.memref_squeeze %dma_wait3A_464 : memref<1x128xi32, #tpu.memory_space<vmem>> -> memref<128xi32, #tpu.memory_space<vmem>>
      %dma_wait3A_466 = arith.constant 0 : i32
      %dma_wait3A_467 = arith.constant 0 : i32
      %dma_wait3A_468 = tpu.memref_slice %arg3[%dma_wait3A_466, %dma_wait3A_467] : memref<1000000x64xf32, #tpu.memory_space<hbm>> -> memref<1000000x64xf32, #tpu.memory_space<hbm>>
      tpu.wait_indirect_dma semaphore(%arg12 : memref<!tpu.dma_semaphore, #tpu.memory_space<semaphore_mem>>) src(%dma_wait3A_468 : memref<1000000x64xf32, #tpu.memory_space<hbm>>) dst(%dma_wait3A_462 : memref<128x64xf32, #tpu.memory_space<vmem>>)
      %add3A_469 = arith.addi %mul3A_2, %add3A_457 : i32
      %dma_start3A_470 = arith.constant 5 : i32
      %dma_start3A_471 = arith.constant 0 : i32
      %dma_start3A_472 = arith.constant 0 : i32
      %dma_start3A_473 = tpu.memref_slice %arg6[%dma_start3A_470, %dma_start3A_471, %dma_start3A_472] : memref<8x128x64xf32, #tpu.memory_space<vmem>> -> memref<1x128x64xf32, #tpu.memory_space<vmem>>
      %dma_start3A_474 = tpu.memref_squeeze %dma_start3A_473 : memref<1x128x64xf32, #tpu.memory_space<vmem>> -> memref<128x64xf32, #tpu.memory_space<vmem>>
      %dma_start3A_475 = arith.constant 0 : i32
      %dma_start3A_476 = arith.constant 0 : i32
      %dma_start3A_477 = tpu.memref_slice %arg4[%add3A_469, %dma_start3A_475, %dma_start3A_476] : memref<6400x128x64xf32, #tpu.memory_space<hbm>> -> memref<1x128x64xf32, #tpu.memory_space<hbm>>
      %dma_start3A_478 = tpu.memref_squeeze %dma_start3A_477 : memref<1x128x64xf32, #tpu.memory_space<hbm>> -> memref<128x64xf32, #tpu.memory_space<hbm>>
      %dma_start3A_479 = arith.constant 0 : i32
      %dma_start3A_480 = arith.constant 0 : i32
      %dma_start3A_481 = tpu.memref_slice %arg4[%add3A_469, %dma_start3A_479, %dma_start3A_480] : memref<6400x128x64xf32, #tpu.memory_space<hbm>> -> memref<1x128x64xf32, #tpu.memory_space<hbm>>
      %dma_start3A_482 = tpu.memref_squeeze %dma_start3A_481 : memref<1x128x64xf32, #tpu.memory_space<hbm>> -> memref<128x64xf32, #tpu.memory_space<hbm>>
      %dma_start3A_483 = arith.constant 0 : i32
      %dma_start3A_484 = arith.constant 0 : i32
      %dma_start3A_485 = tpu.memref_slice %arg6[%dma_start3A_470, %dma_start3A_483, %dma_start3A_484] : memref<8x128x64xf32, #tpu.memory_space<vmem>> -> memref<1x128x64xf32, #tpu.memory_space<vmem>>
      %dma_start3A_486 = tpu.memref_squeeze %dma_start3A_485 : memref<1x128x64xf32, #tpu.memory_space<vmem>> -> memref<128x64xf32, #tpu.memory_space<vmem>>
      tpu.enqueue_dma source(%dma_start3A_486 : memref<128x64xf32, #tpu.memory_space<vmem>>) target(%dma_start3A_482 : memref<128x64xf32, #tpu.memory_space<hbm>>) target_semaphore(%arg20 : memref<!tpu.dma_semaphore, #tpu.memory_space<semaphore_mem>>)
      %add3A_487 = arith.constant 8 : i32
      %add3A_488 = arith.addi %add3A_457, %add3A_487 : i32
      %lt3A_489 = arith.constant 200 : i32
      %lt3A_490 = arith.cmpi slt, %add3A_488, %lt3A_489 : i32
      %convert_element_type3A_491 = arith.extui %lt3A_490 : i1 to i32
      %cond3A_492 = arith.constant 0 : i32
      %cond3A_493 = arith.cmpi ne, %convert_element_type3A_491, %cond3A_492 : i32
      scf.if %cond3A_493 {
        %add3A_575 = arith.addi %mul3A_2, %add3A_457 : i32
        %dma_wait3A_576 = arith.constant 5 : i32
        %dma_wait3A_577 = arith.constant 0 : i32
        %dma_wait3A_578 = arith.constant 0 : i32
        %dma_wait3A_579 = tpu.memref_slice %arg6[%dma_wait3A_576, %dma_wait3A_577, %dma_wait3A_578] : memref<8x128x64xf32, #tpu.memory_space<vmem>> -> memref<1x128x64xf32, #tpu.memory_space<vmem>>
        %dma_wait3A_580 = tpu.memref_squeeze %dma_wait3A_579 : memref<1x128x64xf32, #tpu.memory_space<vmem>> -> memref<128x64xf32, #tpu.memory_space<vmem>>
        %dma_wait3A_581 = arith.constant 0 : i32
        %dma_wait3A_582 = arith.constant 0 : i32
        %dma_wait3A_583 = tpu.memref_slice %arg4[%add3A_575, %dma_wait3A_581, %dma_wait3A_582] : memref<6400x128x64xf32, #tpu.memory_space<hbm>> -> memref<1x128x64xf32, #tpu.memory_space<hbm>>
        %dma_wait3A_584 = tpu.memref_squeeze %dma_wait3A_583 : memref<1x128x64xf32, #tpu.memory_space<hbm>> -> memref<128x64xf32, #tpu.memory_space<hbm>>
        %dma_wait3A_585 = arith.constant 0 : i32
        %dma_wait3A_586 = arith.constant 0 : i32
        %dma_wait3A_587 = tpu.memref_slice %arg4[%add3A_575, %dma_wait3A_585, %dma_wait3A_586] : memref<6400x128x64xf32, #tpu.memory_space<hbm>> -> memref<1x128x64xf32, #tpu.memory_space<hbm>>
        %dma_wait3A_588 = tpu.memref_squeeze %dma_wait3A_587 : memref<1x128x64xf32, #tpu.memory_space<hbm>> -> memref<128x64xf32, #tpu.memory_space<hbm>>
        %dma_wait3A_589 = arith.constant 0 : i32
        %dma_wait3A_590 = arith.constant 0 : i32
        %dma_wait3A_591 = tpu.memref_slice %arg6[%dma_wait3A_576, %dma_wait3A_589, %dma_wait3A_590] : memref<8x128x64xf32, #tpu.memory_space<vmem>> -> memref<1x128x64xf32, #tpu.memory_space<vmem>>
        %dma_wait3A_592 = tpu.memref_squeeze %dma_wait3A_591 : memref<1x128x64xf32, #tpu.memory_space<vmem>> -> memref<128x64xf32, #tpu.memory_space<vmem>>
        tpu.wait_dma2 semaphore(%arg20 : memref<!tpu.dma_semaphore, #tpu.memory_space<semaphore_mem>>) src(%dma_wait3A_592 : memref<128x64xf32, #tpu.memory_space<vmem>>) dst(%dma_wait3A_588 : memref<128x64xf32, #tpu.memory_space<hbm>>)
        %add3A_593 = arith.constant 8 : i32
        %add3A_594 = arith.addi %add3A_457, %add3A_593 : i32
        %dma_start3A_595 = arith.constant 5 : i32
        %dma_start3A_596 = arith.constant 0 : i32
        %dma_start3A_597 = arith.constant 0 : i32
        %dma_start3A_598 = tpu.memref_slice %arg6[%dma_start3A_595, %dma_start3A_596, %dma_start3A_597] : memref<8x128x64xf32, #tpu.memory_space<vmem>> -> memref<1x128x64xf32, #tpu.memory_space<vmem>>
        %dma_start3A_599 = tpu.memref_squeeze %dma_start3A_598 : memref<1x128x64xf32, #tpu.memory_space<vmem>> -> memref<128x64xf32, #tpu.memory_space<vmem>>
        %dma_start3A_600 = arith.constant 0 : i32
        %dma_start3A_601 = tpu.memref_slice %arg5[%add3A_594, %dma_start3A_600] : memref<200x128xi32, #tpu.memory_space<vmem>> -> memref<1x128xi32, #tpu.memory_space<vmem>>
        %dma_start3A_602 = tpu.memref_squeeze %dma_start3A_601 : memref<1x128xi32, #tpu.memory_space<vmem>> -> memref<128xi32, #tpu.memory_space<vmem>>
        %dma_start3A_603 = arith.constant 0 : i32
        %dma_start3A_604 = arith.constant 0 : i32
        %dma_start3A_605 = tpu.memref_slice %arg3[%dma_start3A_603, %dma_start3A_604] : memref<1000000x64xf32, #tpu.memory_space<hbm>> -> memref<1000000x64xf32, #tpu.memory_space<hbm>>
        tpu.enqueue_indirect_dma source(%dma_start3A_605 : memref<1000000x64xf32, #tpu.memory_space<hbm>>) target(%dma_start3A_599 : memref<128x64xf32, #tpu.memory_space<vmem>>) offsets(%dma_start3A_602 : memref<128xi32, #tpu.memory_space<vmem>>) semaphore(%arg12 : memref<!tpu.dma_semaphore, #tpu.memory_space<semaphore_mem>>)
      } else {
      }
      %mul3A_494 = arith.constant 8 : i32
      %mul3A_495 = arith.muli %scan3A_255, %mul3A_494 : i32
      %add3A_496 = arith.constant 6 : i32
      %add3A_497 = arith.addi %mul3A_495, %add3A_496 : i32
      %dma_wait3A_498 = arith.constant 6 : i32
      %dma_wait3A_499 = arith.constant 0 : i32
      %dma_wait3A_500 = arith.constant 0 : i32
      %dma_wait3A_501 = tpu.memref_slice %arg6[%dma_wait3A_498, %dma_wait3A_499, %dma_wait3A_500] : memref<8x128x64xf32, #tpu.memory_space<vmem>> -> memref<1x128x64xf32, #tpu.memory_space<vmem>>
      %dma_wait3A_502 = tpu.memref_squeeze %dma_wait3A_501 : memref<1x128x64xf32, #tpu.memory_space<vmem>> -> memref<128x64xf32, #tpu.memory_space<vmem>>
      %dma_wait3A_503 = arith.constant 0 : i32
      %dma_wait3A_504 = tpu.memref_slice %arg5[%add3A_497, %dma_wait3A_503] : memref<200x128xi32, #tpu.memory_space<vmem>> -> memref<1x128xi32, #tpu.memory_space<vmem>>
      %dma_wait3A_505 = tpu.memref_squeeze %dma_wait3A_504 : memref<1x128xi32, #tpu.memory_space<vmem>> -> memref<128xi32, #tpu.memory_space<vmem>>
      %dma_wait3A_506 = arith.constant 0 : i32
      %dma_wait3A_507 = arith.constant 0 : i32
      %dma_wait3A_508 = tpu.memref_slice %arg3[%dma_wait3A_506, %dma_wait3A_507] : memref<1000000x64xf32, #tpu.memory_space<hbm>> -> memref<1000000x64xf32, #tpu.memory_space<hbm>>
      tpu.wait_indirect_dma semaphore(%arg13 : memref<!tpu.dma_semaphore, #tpu.memory_space<semaphore_mem>>) src(%dma_wait3A_508 : memref<1000000x64xf32, #tpu.memory_space<hbm>>) dst(%dma_wait3A_502 : memref<128x64xf32, #tpu.memory_space<vmem>>)
      %add3A_509 = arith.addi %mul3A_2, %add3A_497 : i32
      %dma_start3A_510 = arith.constant 6 : i32
      %dma_start3A_511 = arith.constant 0 : i32
      %dma_start3A_512 = arith.constant 0 : i32
      %dma_start3A_513 = tpu.memref_slice %arg6[%dma_start3A_510, %dma_start3A_511, %dma_start3A_512] : memref<8x128x64xf32, #tpu.memory_space<vmem>> -> memref<1x128x64xf32, #tpu.memory_space<vmem>>
      %dma_start3A_514 = tpu.memref_squeeze %dma_start3A_513 : memref<1x128x64xf32, #tpu.memory_space<vmem>> -> memref<128x64xf32, #tpu.memory_space<vmem>>
      %dma_start3A_515 = arith.constant 0 : i32
      %dma_start3A_516 = arith.constant 0 : i32
      %dma_start3A_517 = tpu.memref_slice %arg4[%add3A_509, %dma_start3A_515, %dma_start3A_516] : memref<6400x128x64xf32, #tpu.memory_space<hbm>> -> memref<1x128x64xf32, #tpu.memory_space<hbm>>
      %dma_start3A_518 = tpu.memref_squeeze %dma_start3A_517 : memref<1x128x64xf32, #tpu.memory_space<hbm>> -> memref<128x64xf32, #tpu.memory_space<hbm>>
      %dma_start3A_519 = arith.constant 0 : i32
      %dma_start3A_520 = arith.constant 0 : i32
      %dma_start3A_521 = tpu.memref_slice %arg4[%add3A_509, %dma_start3A_519, %dma_start3A_520] : memref<6400x128x64xf32, #tpu.memory_space<hbm>> -> memref<1x128x64xf32, #tpu.memory_space<hbm>>
      %dma_start3A_522 = tpu.memref_squeeze %dma_start3A_521 : memref<1x128x64xf32, #tpu.memory_space<hbm>> -> memref<128x64xf32, #tpu.memory_space<hbm>>
      %dma_start3A_523 = arith.constant 0 : i32
      %dma_start3A_524 = arith.constant 0 : i32
      %dma_start3A_525 = tpu.memref_slice %arg6[%dma_start3A_510, %dma_start3A_523, %dma_start3A_524] : memref<8x128x64xf32, #tpu.memory_space<vmem>> -> memref<1x128x64xf32, #tpu.memory_space<vmem>>
      %dma_start3A_526 = tpu.memref_squeeze %dma_start3A_525 : memref<1x128x64xf32, #tpu.memory_space<vmem>> -> memref<128x64xf32, #tpu.memory_space<vmem>>
      tpu.enqueue_dma source(%dma_start3A_526 : memref<128x64xf32, #tpu.memory_space<vmem>>) target(%dma_start3A_522 : memref<128x64xf32, #tpu.memory_space<hbm>>) target_semaphore(%arg21 : memref<!tpu.dma_semaphore, #tpu.memory_space<semaphore_mem>>)
      %add3A_527 = arith.constant 8 : i32
      %add3A_528 = arith.addi %add3A_497, %add3A_527 : i32
      %lt3A_529 = arith.constant 200 : i32
      %lt3A_530 = arith.cmpi slt, %add3A_528, %lt3A_529 : i32
      %convert_element_type3A_531 = arith.extui %lt3A_530 : i1 to i32
      %cond3A_532 = arith.constant 0 : i32
      %cond3A_533 = arith.cmpi ne, %convert_element_type3A_531, %cond3A_532 : i32
      scf.if %cond3A_533 {
        %add3A_575 = arith.addi %mul3A_2, %add3A_497 : i32
        %dma_wait3A_576 = arith.constant 6 : i32
        %dma_wait3A_577 = arith.constant 0 : i32
        %dma_wait3A_578 = arith.constant 0 : i32
        %dma_wait3A_579 = tpu.memref_slice %arg6[%dma_wait3A_576, %dma_wait3A_577, %dma_wait3A_578] : memref<8x128x64xf32, #tpu.memory_space<vmem>> -> memref<1x128x64xf32, #tpu.memory_space<vmem>>
        %dma_wait3A_580 = tpu.memref_squeeze %dma_wait3A_579 : memref<1x128x64xf32, #tpu.memory_space<vmem>> -> memref<128x64xf32, #tpu.memory_space<vmem>>
        %dma_wait3A_581 = arith.constant 0 : i32
        %dma_wait3A_582 = arith.constant 0 : i32
        %dma_wait3A_583 = tpu.memref_slice %arg4[%add3A_575, %dma_wait3A_581, %dma_wait3A_582] : memref<6400x128x64xf32, #tpu.memory_space<hbm>> -> memref<1x128x64xf32, #tpu.memory_space<hbm>>
        %dma_wait3A_584 = tpu.memref_squeeze %dma_wait3A_583 : memref<1x128x64xf32, #tpu.memory_space<hbm>> -> memref<128x64xf32, #tpu.memory_space<hbm>>
        %dma_wait3A_585 = arith.constant 0 : i32
        %dma_wait3A_586 = arith.constant 0 : i32
        %dma_wait3A_587 = tpu.memref_slice %arg4[%add3A_575, %dma_wait3A_585, %dma_wait3A_586] : memref<6400x128x64xf32, #tpu.memory_space<hbm>> -> memref<1x128x64xf32, #tpu.memory_space<hbm>>
        %dma_wait3A_588 = tpu.memref_squeeze %dma_wait3A_587 : memref<1x128x64xf32, #tpu.memory_space<hbm>> -> memref<128x64xf32, #tpu.memory_space<hbm>>
        %dma_wait3A_589 = arith.constant 0 : i32
        %dma_wait3A_590 = arith.constant 0 : i32
        %dma_wait3A_591 = tpu.memref_slice %arg6[%dma_wait3A_576, %dma_wait3A_589, %dma_wait3A_590] : memref<8x128x64xf32, #tpu.memory_space<vmem>> -> memref<1x128x64xf32, #tpu.memory_space<vmem>>
        %dma_wait3A_592 = tpu.memref_squeeze %dma_wait3A_591 : memref<1x128x64xf32, #tpu.memory_space<vmem>> -> memref<128x64xf32, #tpu.memory_space<vmem>>
        tpu.wait_dma2 semaphore(%arg21 : memref<!tpu.dma_semaphore, #tpu.memory_space<semaphore_mem>>) src(%dma_wait3A_592 : memref<128x64xf32, #tpu.memory_space<vmem>>) dst(%dma_wait3A_588 : memref<128x64xf32, #tpu.memory_space<hbm>>)
        %add3A_593 = arith.constant 8 : i32
        %add3A_594 = arith.addi %add3A_497, %add3A_593 : i32
        %dma_start3A_595 = arith.constant 6 : i32
        %dma_start3A_596 = arith.constant 0 : i32
        %dma_start3A_597 = arith.constant 0 : i32
        %dma_start3A_598 = tpu.memref_slice %arg6[%dma_start3A_595, %dma_start3A_596, %dma_start3A_597] : memref<8x128x64xf32, #tpu.memory_space<vmem>> -> memref<1x128x64xf32, #tpu.memory_space<vmem>>
        %dma_start3A_599 = tpu.memref_squeeze %dma_start3A_598 : memref<1x128x64xf32, #tpu.memory_space<vmem>> -> memref<128x64xf32, #tpu.memory_space<vmem>>
        %dma_start3A_600 = arith.constant 0 : i32
        %dma_start3A_601 = tpu.memref_slice %arg5[%add3A_594, %dma_start3A_600] : memref<200x128xi32, #tpu.memory_space<vmem>> -> memref<1x128xi32, #tpu.memory_space<vmem>>
        %dma_start3A_602 = tpu.memref_squeeze %dma_start3A_601 : memref<1x128xi32, #tpu.memory_space<vmem>> -> memref<128xi32, #tpu.memory_space<vmem>>
        %dma_start3A_603 = arith.constant 0 : i32
        %dma_start3A_604 = arith.constant 0 : i32
        %dma_start3A_605 = tpu.memref_slice %arg3[%dma_start3A_603, %dma_start3A_604] : memref<1000000x64xf32, #tpu.memory_space<hbm>> -> memref<1000000x64xf32, #tpu.memory_space<hbm>>
        tpu.enqueue_indirect_dma source(%dma_start3A_605 : memref<1000000x64xf32, #tpu.memory_space<hbm>>) target(%dma_start3A_599 : memref<128x64xf32, #tpu.memory_space<vmem>>) offsets(%dma_start3A_602 : memref<128xi32, #tpu.memory_space<vmem>>) semaphore(%arg13 : memref<!tpu.dma_semaphore, #tpu.memory_space<semaphore_mem>>)
      } else {
      }
      %mul3A_534 = arith.constant 8 : i32
      %mul3A_535 = arith.muli %scan3A_255, %mul3A_534 : i32
      %add3A_536 = arith.constant 7 : i32
      %add3A_537 = arith.addi %mul3A_535, %add3A_536 : i32
      %dma_wait3A_538 = arith.constant 7 : i32
      %dma_wait3A_539 = arith.constant 0 : i32
      %dma_wait3A_540 = arith.constant 0 : i32
      %dma_wait3A_541 = tpu.memref_slice %arg6[%dma_wait3A_538, %dma_wait3A_539, %dma_wait3A_540] : memref<8x128x64xf32, #tpu.memory_space<vmem>> -> memref<1x128x64xf32, #tpu.memory_space<vmem>>
      %dma_wait3A_542 = tpu.memref_squeeze %dma_wait3A_541 : memref<1x128x64xf32, #tpu.memory_space<vmem>> -> memref<128x64xf32, #tpu.memory_space<vmem>>
      %dma_wait3A_543 = arith.constant 0 : i32
      %dma_wait3A_544 = tpu.memref_slice %arg5[%add3A_537, %dma_wait3A_543] : memref<200x128xi32, #tpu.memory_space<vmem>> -> memref<1x128xi32, #tpu.memory_space<vmem>>
      %dma_wait3A_545 = tpu.memref_squeeze %dma_wait3A_544 : memref<1x128xi32, #tpu.memory_space<vmem>> -> memref<128xi32, #tpu.memory_space<vmem>>
      %dma_wait3A_546 = arith.constant 0 : i32
      %dma_wait3A_547 = arith.constant 0 : i32
      %dma_wait3A_548 = tpu.memref_slice %arg3[%dma_wait3A_546, %dma_wait3A_547] : memref<1000000x64xf32, #tpu.memory_space<hbm>> -> memref<1000000x64xf32, #tpu.memory_space<hbm>>
      tpu.wait_indirect_dma semaphore(%arg14 : memref<!tpu.dma_semaphore, #tpu.memory_space<semaphore_mem>>) src(%dma_wait3A_548 : memref<1000000x64xf32, #tpu.memory_space<hbm>>) dst(%dma_wait3A_542 : memref<128x64xf32, #tpu.memory_space<vmem>>)
      %add3A_549 = arith.addi %mul3A_2, %add3A_537 : i32
      %dma_start3A_550 = arith.constant 7 : i32
      %dma_start3A_551 = arith.constant 0 : i32
      %dma_start3A_552 = arith.constant 0 : i32
      %dma_start3A_553 = tpu.memref_slice %arg6[%dma_start3A_550, %dma_start3A_551, %dma_start3A_552] : memref<8x128x64xf32, #tpu.memory_space<vmem>> -> memref<1x128x64xf32, #tpu.memory_space<vmem>>
      %dma_start3A_554 = tpu.memref_squeeze %dma_start3A_553 : memref<1x128x64xf32, #tpu.memory_space<vmem>> -> memref<128x64xf32, #tpu.memory_space<vmem>>
      %dma_start3A_555 = arith.constant 0 : i32
      %dma_start3A_556 = arith.constant 0 : i32
      %dma_start3A_557 = tpu.memref_slice %arg4[%add3A_549, %dma_start3A_555, %dma_start3A_556] : memref<6400x128x64xf32, #tpu.memory_space<hbm>> -> memref<1x128x64xf32, #tpu.memory_space<hbm>>
      %dma_start3A_558 = tpu.memref_squeeze %dma_start3A_557 : memref<1x128x64xf32, #tpu.memory_space<hbm>> -> memref<128x64xf32, #tpu.memory_space<hbm>>
      %dma_start3A_559 = arith.constant 0 : i32
      %dma_start3A_560 = arith.constant 0 : i32
      %dma_start3A_561 = tpu.memref_slice %arg4[%add3A_549, %dma_start3A_559, %dma_start3A_560] : memref<6400x128x64xf32, #tpu.memory_space<hbm>> -> memref<1x128x64xf32, #tpu.memory_space<hbm>>
      %dma_start3A_562 = tpu.memref_squeeze %dma_start3A_561 : memref<1x128x64xf32, #tpu.memory_space<hbm>> -> memref<128x64xf32, #tpu.memory_space<hbm>>
      %dma_start3A_563 = arith.constant 0 : i32
      %dma_start3A_564 = arith.constant 0 : i32
      %dma_start3A_565 = tpu.memref_slice %arg6[%dma_start3A_550, %dma_start3A_563, %dma_start3A_564] : memref<8x128x64xf32, #tpu.memory_space<vmem>> -> memref<1x128x64xf32, #tpu.memory_space<vmem>>
      %dma_start3A_566 = tpu.memref_squeeze %dma_start3A_565 : memref<1x128x64xf32, #tpu.memory_space<vmem>> -> memref<128x64xf32, #tpu.memory_space<vmem>>
      tpu.enqueue_dma source(%dma_start3A_566 : memref<128x64xf32, #tpu.memory_space<vmem>>) target(%dma_start3A_562 : memref<128x64xf32, #tpu.memory_space<hbm>>) target_semaphore(%arg22 : memref<!tpu.dma_semaphore, #tpu.memory_space<semaphore_mem>>)
      %add3A_567 = arith.constant 8 : i32
      %add3A_568 = arith.addi %add3A_537, %add3A_567 : i32
      %lt3A_569 = arith.constant 200 : i32
      %lt3A_570 = arith.cmpi slt, %add3A_568, %lt3A_569 : i32
      %convert_element_type3A_571 = arith.extui %lt3A_570 : i1 to i32
      %cond3A_572 = arith.constant 0 : i32
      %cond3A_573 = arith.cmpi ne, %convert_element_type3A_571, %cond3A_572 : i32
      scf.if %cond3A_573 {
        %add3A_575 = arith.addi %mul3A_2, %add3A_537 : i32
        %dma_wait3A_576 = arith.constant 7 : i32
        %dma_wait3A_577 = arith.constant 0 : i32
        %dma_wait3A_578 = arith.constant 0 : i32
        %dma_wait3A_579 = tpu.memref_slice %arg6[%dma_wait3A_576, %dma_wait3A_577, %dma_wait3A_578] : memref<8x128x64xf32, #tpu.memory_space<vmem>> -> memref<1x128x64xf32, #tpu.memory_space<vmem>>
        %dma_wait3A_580 = tpu.memref_squeeze %dma_wait3A_579 : memref<1x128x64xf32, #tpu.memory_space<vmem>> -> memref<128x64xf32, #tpu.memory_space<vmem>>
        %dma_wait3A_581 = arith.constant 0 : i32
        %dma_wait3A_582 = arith.constant 0 : i32
        %dma_wait3A_583 = tpu.memref_slice %arg4[%add3A_575, %dma_wait3A_581, %dma_wait3A_582] : memref<6400x128x64xf32, #tpu.memory_space<hbm>> -> memref<1x128x64xf32, #tpu.memory_space<hbm>>
        %dma_wait3A_584 = tpu.memref_squeeze %dma_wait3A_583 : memref<1x128x64xf32, #tpu.memory_space<hbm>> -> memref<128x64xf32, #tpu.memory_space<hbm>>
        %dma_wait3A_585 = arith.constant 0 : i32
        %dma_wait3A_586 = arith.constant 0 : i32
        %dma_wait3A_587 = tpu.memref_slice %arg4[%add3A_575, %dma_wait3A_585, %dma_wait3A_586] : memref<6400x128x64xf32, #tpu.memory_space<hbm>> -> memref<1x128x64xf32, #tpu.memory_space<hbm>>
        %dma_wait3A_588 = tpu.memref_squeeze %dma_wait3A_587 : memref<1x128x64xf32, #tpu.memory_space<hbm>> -> memref<128x64xf32, #tpu.memory_space<hbm>>
        %dma_wait3A_589 = arith.constant 0 : i32
        %dma_wait3A_590 = arith.constant 0 : i32
        %dma_wait3A_591 = tpu.memref_slice %arg6[%dma_wait3A_576, %dma_wait3A_589, %dma_wait3A_590] : memref<8x128x64xf32, #tpu.memory_space<vmem>> -> memref<1x128x64xf32, #tpu.memory_space<vmem>>
        %dma_wait3A_592 = tpu.memref_squeeze %dma_wait3A_591 : memref<1x128x64xf32, #tpu.memory_space<vmem>> -> memref<128x64xf32, #tpu.memory_space<vmem>>
        tpu.wait_dma2 semaphore(%arg22 : memref<!tpu.dma_semaphore, #tpu.memory_space<semaphore_mem>>) src(%dma_wait3A_592 : memref<128x64xf32, #tpu.memory_space<vmem>>) dst(%dma_wait3A_588 : memref<128x64xf32, #tpu.memory_space<hbm>>)
        %add3A_593 = arith.constant 8 : i32
        %add3A_594 = arith.addi %add3A_537, %add3A_593 : i32
        %dma_start3A_595 = arith.constant 7 : i32
        %dma_start3A_596 = arith.constant 0 : i32
        %dma_start3A_597 = arith.constant 0 : i32
        %dma_start3A_598 = tpu.memref_slice %arg6[%dma_start3A_595, %dma_start3A_596, %dma_start3A_597] : memref<8x128x64xf32, #tpu.memory_space<vmem>> -> memref<1x128x64xf32, #tpu.memory_space<vmem>>
        %dma_start3A_599 = tpu.memref_squeeze %dma_start3A_598 : memref<1x128x64xf32, #tpu.memory_space<vmem>> -> memref<128x64xf32, #tpu.memory_space<vmem>>
        %dma_start3A_600 = arith.constant 0 : i32
        %dma_start3A_601 = tpu.memref_slice %arg5[%add3A_594, %dma_start3A_600] : memref<200x128xi32, #tpu.memory_space<vmem>> -> memref<1x128xi32, #tpu.memory_space<vmem>>
        %dma_start3A_602 = tpu.memref_squeeze %dma_start3A_601 : memref<1x128xi32, #tpu.memory_space<vmem>> -> memref<128xi32, #tpu.memory_space<vmem>>
        %dma_start3A_603 = arith.constant 0 : i32
        %dma_start3A_604 = arith.constant 0 : i32
        %dma_start3A_605 = tpu.memref_slice %arg3[%dma_start3A_603, %dma_start3A_604] : memref<1000000x64xf32, #tpu.memory_space<hbm>> -> memref<1000000x64xf32, #tpu.memory_space<hbm>>
        tpu.enqueue_indirect_dma source(%dma_start3A_605 : memref<1000000x64xf32, #tpu.memory_space<hbm>>) target(%dma_start3A_599 : memref<128x64xf32, #tpu.memory_space<vmem>>) offsets(%dma_start3A_602 : memref<128xi32, #tpu.memory_space<vmem>>) semaphore(%arg14 : memref<!tpu.dma_semaphore, #tpu.memory_space<semaphore_mem>>)
      } else {
      }
      %scan3A_574 = arith.constant 0 : i32
      scf.yield %scan3A_574 : i32
    }
    %scan3A_103 = arith.constant 25 : i32
    %add3A_104 = arith.constant 192 : i32
    %add3A_105 = arith.addi %mul3A_2, %add3A_104 : i32
    %dma_wait3A = arith.constant 0 : i32
    %dma_wait3A_106 = arith.constant 0 : i32
    %dma_wait3A_107 = arith.constant 0 : i32
    %dma_wait3A_108 = tpu.memref_slice %arg6[%dma_wait3A, %dma_wait3A_106, %dma_wait3A_107] : memref<8x128x64xf32, #tpu.memory_space<vmem>> -> memref<1x128x64xf32, #tpu.memory_space<vmem>>
    %dma_wait3A_109 = tpu.memref_squeeze %dma_wait3A_108 : memref<1x128x64xf32, #tpu.memory_space<vmem>> -> memref<128x64xf32, #tpu.memory_space<vmem>>
    %dma_wait3A_110 = arith.constant 0 : i32
    %dma_wait3A_111 = arith.constant 0 : i32
    %dma_wait3A_112 = tpu.memref_slice %arg4[%add3A_105, %dma_wait3A_110, %dma_wait3A_111] : memref<6400x128x64xf32, #tpu.memory_space<hbm>> -> memref<1x128x64xf32, #tpu.memory_space<hbm>>
    %dma_wait3A_113 = tpu.memref_squeeze %dma_wait3A_112 : memref<1x128x64xf32, #tpu.memory_space<hbm>> -> memref<128x64xf32, #tpu.memory_space<hbm>>
    %dma_wait3A_114 = arith.constant 0 : i32
    %dma_wait3A_115 = arith.constant 0 : i32
    %dma_wait3A_116 = tpu.memref_slice %arg4[%add3A_105, %dma_wait3A_114, %dma_wait3A_115] : memref<6400x128x64xf32, #tpu.memory_space<hbm>> -> memref<1x128x64xf32, #tpu.memory_space<hbm>>
    %dma_wait3A_117 = tpu.memref_squeeze %dma_wait3A_116 : memref<1x128x64xf32, #tpu.memory_space<hbm>> -> memref<128x64xf32, #tpu.memory_space<hbm>>
    %dma_wait3A_118 = arith.constant 0 : i32
    %dma_wait3A_119 = arith.constant 0 : i32
    %dma_wait3A_120 = tpu.memref_slice %arg6[%dma_wait3A, %dma_wait3A_118, %dma_wait3A_119] : memref<8x128x64xf32, #tpu.memory_space<vmem>> -> memref<1x128x64xf32, #tpu.memory_space<vmem>>
    %dma_wait3A_121 = tpu.memref_squeeze %dma_wait3A_120 : memref<1x128x64xf32, #tpu.memory_space<vmem>> -> memref<128x64xf32, #tpu.memory_space<vmem>>
    tpu.wait_dma2 semaphore(%arg15 : memref<!tpu.dma_semaphore, #tpu.memory_space<semaphore_mem>>) src(%dma_wait3A_121 : memref<128x64xf32, #tpu.memory_space<vmem>>) dst(%dma_wait3A_117 : memref<128x64xf32, #tpu.memory_space<hbm>>)
    %add3A_122 = arith.constant 193 : i32
    %add3A_123 = arith.addi %mul3A_2, %add3A_122 : i32
    %dma_wait3A_124 = arith.constant 1 : i32
    %dma_wait3A_125 = arith.constant 0 : i32
    %dma_wait3A_126 = arith.constant 0 : i32
    %dma_wait3A_127 = tpu.memref_slice %arg6[%dma_wait3A_124, %dma_wait3A_125, %dma_wait3A_126] : memref<8x128x64xf32, #tpu.memory_space<vmem>> -> memref<1x128x64xf32, #tpu.memory_space<vmem>>
    %dma_wait3A_128 = tpu.memref_squeeze %dma_wait3A_127 : memref<1x128x64xf32, #tpu.memory_space<vmem>> -> memref<128x64xf32, #tpu.memory_space<vmem>>
    %dma_wait3A_129 = arith.constant 0 : i32
    %dma_wait3A_130 = arith.constant 0 : i32
    %dma_wait3A_131 = tpu.memref_slice %arg4[%add3A_123, %dma_wait3A_129, %dma_wait3A_130] : memref<6400x128x64xf32, #tpu.memory_space<hbm>> -> memref<1x128x64xf32, #tpu.memory_space<hbm>>
    %dma_wait3A_132 = tpu.memref_squeeze %dma_wait3A_131 : memref<1x128x64xf32, #tpu.memory_space<hbm>> -> memref<128x64xf32, #tpu.memory_space<hbm>>
    %dma_wait3A_133 = arith.constant 0 : i32
    %dma_wait3A_134 = arith.constant 0 : i32
    %dma_wait3A_135 = tpu.memref_slice %arg4[%add3A_123, %dma_wait3A_133, %dma_wait3A_134] : memref<6400x128x64xf32, #tpu.memory_space<hbm>> -> memref<1x128x64xf32, #tpu.memory_space<hbm>>
    %dma_wait3A_136 = tpu.memref_squeeze %dma_wait3A_135 : memref<1x128x64xf32, #tpu.memory_space<hbm>> -> memref<128x64xf32, #tpu.memory_space<hbm>>
    %dma_wait3A_137 = arith.constant 0 : i32
    %dma_wait3A_138 = arith.constant 0 : i32
    %dma_wait3A_139 = tpu.memref_slice %arg6[%dma_wait3A_124, %dma_wait3A_137, %dma_wait3A_138] : memref<8x128x64xf32, #tpu.memory_space<vmem>> -> memref<1x128x64xf32, #tpu.memory_space<vmem>>
    %dma_wait3A_140 = tpu.memref_squeeze %dma_wait3A_139 : memref<1x128x64xf32, #tpu.memory_space<vmem>> -> memref<128x64xf32, #tpu.memory_space<vmem>>
    tpu.wait_dma2 semaphore(%arg16 : memref<!tpu.dma_semaphore, #tpu.memory_space<semaphore_mem>>) src(%dma_wait3A_140 : memref<128x64xf32, #tpu.memory_space<vmem>>) dst(%dma_wait3A_136 : memref<128x64xf32, #tpu.memory_space<hbm>>)
    %add3A_141 = arith.constant 194 : i32
    %add3A_142 = arith.addi %mul3A_2, %add3A_141 : i32
    %dma_wait3A_143 = arith.constant 2 : i32
    %dma_wait3A_144 = arith.constant 0 : i32
    %dma_wait3A_145 = arith.constant 0 : i32
    %dma_wait3A_146 = tpu.memref_slice %arg6[%dma_wait3A_143, %dma_wait3A_144, %dma_wait3A_145] : memref<8x128x64xf32, #tpu.memory_space<vmem>> -> memref<1x128x64xf32, #tpu.memory_space<vmem>>
    %dma_wait3A_147 = tpu.memref_squeeze %dma_wait3A_146 : memref<1x128x64xf32, #tpu.memory_space<vmem>> -> memref<128x64xf32, #tpu.memory_space<vmem>>
    %dma_wait3A_148 = arith.constant 0 : i32
    %dma_wait3A_149 = arith.constant 0 : i32
    %dma_wait3A_150 = tpu.memref_slice %arg4[%add3A_142, %dma_wait3A_148, %dma_wait3A_149] : memref<6400x128x64xf32, #tpu.memory_space<hbm>> -> memref<1x128x64xf32, #tpu.memory_space<hbm>>
    %dma_wait3A_151 = tpu.memref_squeeze %dma_wait3A_150 : memref<1x128x64xf32, #tpu.memory_space<hbm>> -> memref<128x64xf32, #tpu.memory_space<hbm>>
    %dma_wait3A_152 = arith.constant 0 : i32
    %dma_wait3A_153 = arith.constant 0 : i32
    %dma_wait3A_154 = tpu.memref_slice %arg4[%add3A_142, %dma_wait3A_152, %dma_wait3A_153] : memref<6400x128x64xf32, #tpu.memory_space<hbm>> -> memref<1x128x64xf32, #tpu.memory_space<hbm>>
    %dma_wait3A_155 = tpu.memref_squeeze %dma_wait3A_154 : memref<1x128x64xf32, #tpu.memory_space<hbm>> -> memref<128x64xf32, #tpu.memory_space<hbm>>
    %dma_wait3A_156 = arith.constant 0 : i32
    %dma_wait3A_157 = arith.constant 0 : i32
    %dma_wait3A_158 = tpu.memref_slice %arg6[%dma_wait3A_143, %dma_wait3A_156, %dma_wait3A_157] : memref<8x128x64xf32, #tpu.memory_space<vmem>> -> memref<1x128x64xf32, #tpu.memory_space<vmem>>
    %dma_wait3A_159 = tpu.memref_squeeze %dma_wait3A_158 : memref<1x128x64xf32, #tpu.memory_space<vmem>> -> memref<128x64xf32, #tpu.memory_space<vmem>>
    tpu.wait_dma2 semaphore(%arg17 : memref<!tpu.dma_semaphore, #tpu.memory_space<semaphore_mem>>) src(%dma_wait3A_159 : memref<128x64xf32, #tpu.memory_space<vmem>>) dst(%dma_wait3A_155 : memref<128x64xf32, #tpu.memory_space<hbm>>)
    %add3A_160 = arith.constant 195 : i32
    %add3A_161 = arith.addi %mul3A_2, %add3A_160 : i32
    %dma_wait3A_162 = arith.constant 3 : i32
    %dma_wait3A_163 = arith.constant 0 : i32
    %dma_wait3A_164 = arith.constant 0 : i32
    %dma_wait3A_165 = tpu.memref_slice %arg6[%dma_wait3A_162, %dma_wait3A_163, %dma_wait3A_164] : memref<8x128x64xf32, #tpu.memory_space<vmem>> -> memref<1x128x64xf32, #tpu.memory_space<vmem>>
    %dma_wait3A_166 = tpu.memref_squeeze %dma_wait3A_165 : memref<1x128x64xf32, #tpu.memory_space<vmem>> -> memref<128x64xf32, #tpu.memory_space<vmem>>
    %dma_wait3A_167 = arith.constant 0 : i32
    %dma_wait3A_168 = arith.constant 0 : i32
    %dma_wait3A_169 = tpu.memref_slice %arg4[%add3A_161, %dma_wait3A_167, %dma_wait3A_168] : memref<6400x128x64xf32, #tpu.memory_space<hbm>> -> memref<1x128x64xf32, #tpu.memory_space<hbm>>
    %dma_wait3A_170 = tpu.memref_squeeze %dma_wait3A_169 : memref<1x128x64xf32, #tpu.memory_space<hbm>> -> memref<128x64xf32, #tpu.memory_space<hbm>>
    %dma_wait3A_171 = arith.constant 0 : i32
    %dma_wait3A_172 = arith.constant 0 : i32
    %dma_wait3A_173 = tpu.memref_slice %arg4[%add3A_161, %dma_wait3A_171, %dma_wait3A_172] : memref<6400x128x64xf32, #tpu.memory_space<hbm>> -> memref<1x128x64xf32, #tpu.memory_space<hbm>>
    %dma_wait3A_174 = tpu.memref_squeeze %dma_wait3A_173 : memref<1x128x64xf32, #tpu.memory_space<hbm>> -> memref<128x64xf32, #tpu.memory_space<hbm>>
    %dma_wait3A_175 = arith.constant 0 : i32
    %dma_wait3A_176 = arith.constant 0 : i32
    %dma_wait3A_177 = tpu.memref_slice %arg6[%dma_wait3A_162, %dma_wait3A_175, %dma_wait3A_176] : memref<8x128x64xf32, #tpu.memory_space<vmem>> -> memref<1x128x64xf32, #tpu.memory_space<vmem>>
    %dma_wait3A_178 = tpu.memref_squeeze %dma_wait3A_177 : memref<1x128x64xf32, #tpu.memory_space<vmem>> -> memref<128x64xf32, #tpu.memory_space<vmem>>
    tpu.wait_dma2 semaphore(%arg18 : memref<!tpu.dma_semaphore, #tpu.memory_space<semaphore_mem>>) src(%dma_wait3A_178 : memref<128x64xf32, #tpu.memory_space<vmem>>) dst(%dma_wait3A_174 : memref<128x64xf32, #tpu.memory_space<hbm>>)
    %add3A_179 = arith.constant 196 : i32
    %add3A_180 = arith.addi %mul3A_2, %add3A_179 : i32
    %dma_wait3A_181 = arith.constant 4 : i32
    %dma_wait3A_182 = arith.constant 0 : i32
    %dma_wait3A_183 = arith.constant 0 : i32
    %dma_wait3A_184 = tpu.memref_slice %arg6[%dma_wait3A_181, %dma_wait3A_182, %dma_wait3A_183] : memref<8x128x64xf32, #tpu.memory_space<vmem>> -> memref<1x128x64xf32, #tpu.memory_space<vmem>>
    %dma_wait3A_185 = tpu.memref_squeeze %dma_wait3A_184 : memref<1x128x64xf32, #tpu.memory_space<vmem>> -> memref<128x64xf32, #tpu.memory_space<vmem>>
    %dma_wait3A_186 = arith.constant 0 : i32
    %dma_wait3A_187 = arith.constant 0 : i32
    %dma_wait3A_188 = tpu.memref_slice %arg4[%add3A_180, %dma_wait3A_186, %dma_wait3A_187] : memref<6400x128x64xf32, #tpu.memory_space<hbm>> -> memref<1x128x64xf32, #tpu.memory_space<hbm>>
    %dma_wait3A_189 = tpu.memref_squeeze %dma_wait3A_188 : memref<1x128x64xf32, #tpu.memory_space<hbm>> -> memref<128x64xf32, #tpu.memory_space<hbm>>
    %dma_wait3A_190 = arith.constant 0 : i32
    %dma_wait3A_191 = arith.constant 0 : i32
    %dma_wait3A_192 = tpu.memref_slice %arg4[%add3A_180, %dma_wait3A_190, %dma_wait3A_191] : memref<6400x128x64xf32, #tpu.memory_space<hbm>> -> memref<1x128x64xf32, #tpu.memory_space<hbm>>
    %dma_wait3A_193 = tpu.memref_squeeze %dma_wait3A_192 : memref<1x128x64xf32, #tpu.memory_space<hbm>> -> memref<128x64xf32, #tpu.memory_space<hbm>>
    %dma_wait3A_194 = arith.constant 0 : i32
    %dma_wait3A_195 = arith.constant 0 : i32
    %dma_wait3A_196 = tpu.memref_slice %arg6[%dma_wait3A_181, %dma_wait3A_194, %dma_wait3A_195] : memref<8x128x64xf32, #tpu.memory_space<vmem>> -> memref<1x128x64xf32, #tpu.memory_space<vmem>>
    %dma_wait3A_197 = tpu.memref_squeeze %dma_wait3A_196 : memref<1x128x64xf32, #tpu.memory_space<vmem>> -> memref<128x64xf32, #tpu.memory_space<vmem>>
    tpu.wait_dma2 semaphore(%arg19 : memref<!tpu.dma_semaphore, #tpu.memory_space<semaphore_mem>>) src(%dma_wait3A_197 : memref<128x64xf32, #tpu.memory_space<vmem>>) dst(%dma_wait3A_193 : memref<128x64xf32, #tpu.memory_space<hbm>>)
    %add3A_198 = arith.constant 197 : i32
    %add3A_199 = arith.addi %mul3A_2, %add3A_198 : i32
    %dma_wait3A_200 = arith.constant 5 : i32
    %dma_wait3A_201 = arith.constant 0 : i32
    %dma_wait3A_202 = arith.constant 0 : i32
    %dma_wait3A_203 = tpu.memref_slice %arg6[%dma_wait3A_200, %dma_wait3A_201, %dma_wait3A_202] : memref<8x128x64xf32, #tpu.memory_space<vmem>> -> memref<1x128x64xf32, #tpu.memory_space<vmem>>
    %dma_wait3A_204 = tpu.memref_squeeze %dma_wait3A_203 : memref<1x128x64xf32, #tpu.memory_space<vmem>> -> memref<128x64xf32, #tpu.memory_space<vmem>>
    %dma_wait3A_205 = arith.constant 0 : i32
    %dma_wait3A_206 = arith.constant 0 : i32
    %dma_wait3A_207 = tpu.memref_slice %arg4[%add3A_199, %dma_wait3A_205, %dma_wait3A_206] : memref<6400x128x64xf32, #tpu.memory_space<hbm>> -> memref<1x128x64xf32, #tpu.memory_space<hbm>>
    %dma_wait3A_208 = tpu.memref_squeeze %dma_wait3A_207 : memref<1x128x64xf32, #tpu.memory_space<hbm>> -> memref<128x64xf32, #tpu.memory_space<hbm>>
    %dma_wait3A_209 = arith.constant 0 : i32
    %dma_wait3A_210 = arith.constant 0 : i32
    %dma_wait3A_211 = tpu.memref_slice %arg4[%add3A_199, %dma_wait3A_209, %dma_wait3A_210] : memref<6400x128x64xf32, #tpu.memory_space<hbm>> -> memref<1x128x64xf32, #tpu.memory_space<hbm>>
    %dma_wait3A_212 = tpu.memref_squeeze %dma_wait3A_211 : memref<1x128x64xf32, #tpu.memory_space<hbm>> -> memref<128x64xf32, #tpu.memory_space<hbm>>
    %dma_wait3A_213 = arith.constant 0 : i32
    %dma_wait3A_214 = arith.constant 0 : i32
    %dma_wait3A_215 = tpu.memref_slice %arg6[%dma_wait3A_200, %dma_wait3A_213, %dma_wait3A_214] : memref<8x128x64xf32, #tpu.memory_space<vmem>> -> memref<1x128x64xf32, #tpu.memory_space<vmem>>
    %dma_wait3A_216 = tpu.memref_squeeze %dma_wait3A_215 : memref<1x128x64xf32, #tpu.memory_space<vmem>> -> memref<128x64xf32, #tpu.memory_space<vmem>>
    tpu.wait_dma2 semaphore(%arg20 : memref<!tpu.dma_semaphore, #tpu.memory_space<semaphore_mem>>) src(%dma_wait3A_216 : memref<128x64xf32, #tpu.memory_space<vmem>>) dst(%dma_wait3A_212 : memref<128x64xf32, #tpu.memory_space<hbm>>)
    %add3A_217 = arith.constant 198 : i32
    %add3A_218 = arith.addi %mul3A_2, %add3A_217 : i32
    %dma_wait3A_219 = arith.constant 6 : i32
    %dma_wait3A_220 = arith.constant 0 : i32
    %dma_wait3A_221 = arith.constant 0 : i32
    %dma_wait3A_222 = tpu.memref_slice %arg6[%dma_wait3A_219, %dma_wait3A_220, %dma_wait3A_221] : memref<8x128x64xf32, #tpu.memory_space<vmem>> -> memref<1x128x64xf32, #tpu.memory_space<vmem>>
    %dma_wait3A_223 = tpu.memref_squeeze %dma_wait3A_222 : memref<1x128x64xf32, #tpu.memory_space<vmem>> -> memref<128x64xf32, #tpu.memory_space<vmem>>
    %dma_wait3A_224 = arith.constant 0 : i32
    %dma_wait3A_225 = arith.constant 0 : i32
    %dma_wait3A_226 = tpu.memref_slice %arg4[%add3A_218, %dma_wait3A_224, %dma_wait3A_225] : memref<6400x128x64xf32, #tpu.memory_space<hbm>> -> memref<1x128x64xf32, #tpu.memory_space<hbm>>
    %dma_wait3A_227 = tpu.memref_squeeze %dma_wait3A_226 : memref<1x128x64xf32, #tpu.memory_space<hbm>> -> memref<128x64xf32, #tpu.memory_space<hbm>>
    %dma_wait3A_228 = arith.constant 0 : i32
    %dma_wait3A_229 = arith.constant 0 : i32
    %dma_wait3A_230 = tpu.memref_slice %arg4[%add3A_218, %dma_wait3A_228, %dma_wait3A_229] : memref<6400x128x64xf32, #tpu.memory_space<hbm>> -> memref<1x128x64xf32, #tpu.memory_space<hbm>>
    %dma_wait3A_231 = tpu.memref_squeeze %dma_wait3A_230 : memref<1x128x64xf32, #tpu.memory_space<hbm>> -> memref<128x64xf32, #tpu.memory_space<hbm>>
    %dma_wait3A_232 = arith.constant 0 : i32
    %dma_wait3A_233 = arith.constant 0 : i32
    %dma_wait3A_234 = tpu.memref_slice %arg6[%dma_wait3A_219, %dma_wait3A_232, %dma_wait3A_233] : memref<8x128x64xf32, #tpu.memory_space<vmem>> -> memref<1x128x64xf32, #tpu.memory_space<vmem>>
    %dma_wait3A_235 = tpu.memref_squeeze %dma_wait3A_234 : memref<1x128x64xf32, #tpu.memory_space<vmem>> -> memref<128x64xf32, #tpu.memory_space<vmem>>
    tpu.wait_dma2 semaphore(%arg21 : memref<!tpu.dma_semaphore, #tpu.memory_space<semaphore_mem>>) src(%dma_wait3A_235 : memref<128x64xf32, #tpu.memory_space<vmem>>) dst(%dma_wait3A_231 : memref<128x64xf32, #tpu.memory_space<hbm>>)
    %add3A_236 = arith.constant 199 : i32
    %add3A_237 = arith.addi %mul3A_2, %add3A_236 : i32
    %dma_wait3A_238 = arith.constant 7 : i32
    %dma_wait3A_239 = arith.constant 0 : i32
    %dma_wait3A_240 = arith.constant 0 : i32
    %dma_wait3A_241 = tpu.memref_slice %arg6[%dma_wait3A_238, %dma_wait3A_239, %dma_wait3A_240] : memref<8x128x64xf32, #tpu.memory_space<vmem>> -> memref<1x128x64xf32, #tpu.memory_space<vmem>>
    %dma_wait3A_242 = tpu.memref_squeeze %dma_wait3A_241 : memref<1x128x64xf32, #tpu.memory_space<vmem>> -> memref<128x64xf32, #tpu.memory_space<vmem>>
    %dma_wait3A_243 = arith.constant 0 : i32
    %dma_wait3A_244 = arith.constant 0 : i32
    %dma_wait3A_245 = tpu.memref_slice %arg4[%add3A_237, %dma_wait3A_243, %dma_wait3A_244] : memref<6400x128x64xf32, #tpu.memory_space<hbm>> -> memref<1x128x64xf32, #tpu.memory_space<hbm>>
    %dma_wait3A_246 = tpu.memref_squeeze %dma_wait3A_245 : memref<1x128x64xf32, #tpu.memory_space<hbm>> -> memref<128x64xf32, #tpu.memory_space<hbm>>
    %dma_wait3A_247 = arith.constant 0 : i32
    %dma_wait3A_248 = arith.constant 0 : i32
    %dma_wait3A_249 = tpu.memref_slice %arg4[%add3A_237, %dma_wait3A_247, %dma_wait3A_248] : memref<6400x128x64xf32, #tpu.memory_space<hbm>> -> memref<1x128x64xf32, #tpu.memory_space<hbm>>
    %dma_wait3A_250 = tpu.memref_squeeze %dma_wait3A_249 : memref<1x128x64xf32, #tpu.memory_space<hbm>> -> memref<128x64xf32, #tpu.memory_space<hbm>>
    %dma_wait3A_251 = arith.constant 0 : i32
    %dma_wait3A_252 = arith.constant 0 : i32
    %dma_wait3A_253 = tpu.memref_slice %arg6[%dma_wait3A_238, %dma_wait3A_251, %dma_wait3A_252] : memref<8x128x64xf32, #tpu.memory_space<vmem>> -> memref<1x128x64xf32, #tpu.memory_space<vmem>>
    %dma_wait3A_254 = tpu.memref_squeeze %dma_wait3A_253 : memref<1x128x64xf32, #tpu.memory_space<vmem>> -> memref<128x64xf32, #tpu.memory_space<vmem>>
    tpu.wait_dma2 semaphore(%arg22 : memref<!tpu.dma_semaphore, #tpu.memory_space<semaphore_mem>>) src(%dma_wait3A_254 : memref<128x64xf32, #tpu.memory_space<vmem>>) dst(%dma_wait3A_250 : memref<128x64xf32, #tpu.memory_space<hbm>>)
    return
  }
}

</mosaic_0001>

<sc_bundles>
// kernel: kernel.3.cloned.1.call-start
scs
__scs_entry_jumppad:
0x0: {  	(pc) =	sbr.rel $0x88, $3  }
0x1: {  	(tag) =	ssettag $0x0;
	lr =	simm.s32 $0x1  }
0x2: {  	[smem:$0x3F9F] =	sst lr;
	_ =	strace $0xD0000000  }
0x3: {  	_ = 	snop  }
0x4: {  	_ = 	snop  }
0x5: {  	_ = 	snop  }
0x6: {  	_ = 	snop  }
0x7: {  	_ = 	snop  }
__scs_overlays_trampoline_lowered:
0x8: {  	[smem:$0x3FAE] =	sst s0  }
0x9: {  	[smem:$0x3FAF] =	sst s1  }
0xa: {  	[smem:$0x3FB0] =	sst s2  }
0xb: {  	[smem:$0x3FB1] =	sst s3  }
0xc: {  	[smem:$0x3FB2] =	sst s4  }
0xd: {  	[smem:$0x3FB3] =	sst s5  }
0xe: {  	[smem:$0x3FB4] =	sst s6  }
0xf: {  	[smem:$0x3FB5] =	sst s7  }
0x10: {  	[smem:$0x3FB6] =	sst s8  }
0x11: {  	[smem:$0x3FB7] =	sst s9;
	s0 =	simm.s32 @!p0 $0x0  }
0x12: {  	s1 =	sld [smem:$0x3F9D];
	s0 =	simm.s32 @p0 $0x1  }
0x13: {  	[smem:$0x3FB8] =	sst s0;
	s0 =	simm.s32 @!p1 $0x0  }
0x14: {  	s2 =	sld [smem:$0x3F9C];
	s0 =	simm.s32 @p1 $0x1  }
0x15: {  	[smem:$0x3FB9] =	sst s0;
	s0 =	simm.s32 @!p2 $0x0  }
0x16: {  	s3 =	sld [smem:$0x3FDB];
	s0 =	simm.s32 @p2 $0x1  }
0x17: {  	s4 =	simm.s32 $0x1BF5;
	[smem:$0x3FBB] =	sst s0  }
0x18: {  	s0 =	sld [smem:$0x3F9E];
	_ =	swait.ge [sflag:s4], $0x0  }
0x19: {  	s7 =	sld [smem:$0x3F9F]  }
0x1a: {  	s8 =	sadd.s32 $0xFFFFE003, lr  }
0x1b: {  	s9 =	sadd.s32 $0xFFFFFEF7, lr;
	s5 =	simm.s32 $0xFFFFFFFF;
	p2 =	slt.u32 s8, $0xFFFFF086  }
0x1c: {  	p1 =	slt.u32 s9, $0xF7A;
	s5 =	simm.s32 @!p2 $0x0  }
0x1d: {  	s5 =	simm.s32 @p1 $0x1;
	p0 =	seq.s32 s7, s2  }
0x1e: {  	s7 =	smul.u32 @!p0 $0xF7A, s2;
	p2 =	seq.s32 @!p0 s5, $0x0  }
0x1f: {  	s9 =	smul.u32 $0xF7A, s1;
	s8 =	simm.s32 @!p0 $0x1BF5;
	p2 =	por !p2, p0  }
0x20: {  	[sflag:s8] =	ssyncset.s32 @!p0 $0xFFFFF086;
	s6 =	sadd.s32 @!p0 s3, s7;
	s7 =	simm.s32 @!p0 $0x108  }
0x21: {  	s3 =	sadd.s32 s3, s9;
	s6 =	sadd.s32 @!p0 $0x88, s6;
	s7 =	simm.s32 @p2 $0x1082  }
0x22: {  	[simem:s7], [sflag:s8] =	dma.local @!p0 [hbm:s6], $0xF7A  }
0x23: {  	s9 =	sor.u32 $0xD0000000, s2;
	s6 =	simm.s32 $0x108;
	_ =	swait.ge @!p0 [sflag:s8], $0x0  }
0x24: {  	s3 =	sadd.s32 $0x88, s3;
	s6 =	simm.s32 @!p1 $0x1082;
	[sflag:s4] =	ssyncset.s32 $0xFFFFF086  }
0x25: {  	[simem:s6], [sflag:s4] =	dma.local [hbm:s3], $0xF7A  }
0x26: {  	[smem:$0x3F9F] =	sst s1;
	(tag) =	ssettag s2;
	_ =	strace s9  }
0x27: {  	s1 =	sld [smem:$0x3FAF]  }
0x28: {  	s2 =	sld [smem:$0x3FB0]  }
0x29: {  	s4 =	sld [smem:$0x3FB2]  }
0x2a: {  	p0 =	seq.s32 s5, $0x0;
	s5 =	sld [smem:$0x3FB3]  }
0x2b: {  	s6 =	sld [smem:$0x3FB4]  }
0x2c: {  	s7 =	sld [smem:$0x3FB5]  }
0x2d: {  	s3 =	simm.s32 $0x108;
	s8 =	sld [smem:$0x3FB6]  }
0x2e: {  	s3 =	simm.s32 @!p0 $0x1082;
	s9 =	sld [smem:$0x3FB7]  }
0x2f: {  	lr =	sadd.s32 s0, s3;
	s0 =	sld [smem:$0x3FAE]  }
0x30: {  	s3 =	sld [smem:$0x3FB1]  }
0x31: {  	[smem:$0x3FBA] =	sst s10  }
0x32: {  	s10 =	sld [smem:$0x3FB8];
	_ =	sdelay $0x3  }
0x33: {  	p0 =	seq.s32 s10, $0x1;
	s10 =	sld [smem:$0x3FBA];
	_ =	sdelay $0x3  }
0x34: {  	[smem:$0x3FBA] =	sst s10  }
0x35: {  	s10 =	sld [smem:$0x3FB9];
	_ =	sdelay $0x3  }
0x36: {  	p1 =	seq.s32 s10, $0x1;
	s10 =	sld [smem:$0x3FBA];
	_ =	sdelay $0x3  }
0x37: {  	[smem:$0x3FBA] =	sst s10  }
0x38: {  	s10 =	sld [smem:$0x3FBB]  }
0x39: {  	_ = 	snop;
	(pc) =	sbr.ind lr, $3  }
0x3a: {  	_ = 	snop  }
0x3b: {  	_ = 	snop  }
0x3c: {  	p2 =	seq.s32 s10, $0x1;
	s10 =	sld [smem:$0x3FBA]  }
0x3d: {  	_ =	shalt  }
0x3e: {  	_ =	shalt  }
0x3f: {  	_ =	shalt  }
0x40: {  	_ =	shalt  }
0x41: {  	_ =	shalt  }
0x42: {  	_ =	shalt  }
0x43: {  	_ =	shalt  }
0x44: {  	_ =	shalt  }
0x45: {  	_ =	shalt  }
0x46: {  	_ =	shalt  }
0x47: {  	_ =	shalt  }
0x48: {  	_ =	shalt  }
0x49: {  	_ =	shalt  }
0x4a: {  	_ =	shalt  }
0x4b: {  	_ =	shalt  }
0x4c: {  	_ =	shalt  }
0x4d: {  	_ =	shalt  }
0x4e: {  	_ =	shalt  }
0x4f: {  	_ =	shalt  }
0x50: {  	_ =	shalt  }
0x51: {  	_ =	shalt  }
0x52: {  	_ =	shalt  }
0x53: {  	_ =	shalt  }
0x54: {  	_ =	shalt  }
0x55: {  	_ =	shalt  }
0x56: {  	_ =	shalt  }
0x57: {  	_ =	shalt  }
0x58: {  	_ =	shalt  }
0x59: {  	_ =	shalt  }
0x5a: {  	_ =	shalt  }
0x5b: {  	_ =	shalt  }
0x5c: {  	_ =	shalt  }
0x5d: {  	_ =	shalt  }
0x5e: {  	_ =	shalt  }
0x5f: {  	_ =	shalt  }
0x60: {  	_ =	shalt  }
0x61: {  	_ =	shalt  }
0x62: {  	_ =	shalt  }
0x63: {  	_ =	shalt  }
0x64: {  	_ =	shalt  }
0x65: {  	_ =	shalt  }
0x66: {  	_ =	shalt  }
0x67: {  	_ =	shalt  }
0x68: {  	_ =	shalt  }
0x69: {  	_ =	shalt  }
0x6a: {  	_ =	shalt  }
0x6b: {  	_ =	shalt  }
0x6c: {  	_ =	shalt  }
0x6d: {  	_ =	shalt  }
0x6e: {  	_ =	shalt  }
0x6f: {  	_ =	shalt  }
0x70: {  	_ =	shalt  }
0x71: {  	_ =	shalt  }
0x72: {  	_ =	shalt  }
0x73: {  	_ =	shalt  }
0x74: {  	_ =	shalt  }
0x75: {  	_ =	shalt  }
0x76: {  	_ =	shalt  }
0x77: {  	_ =	shalt  }
0x78: {  	_ =	shalt  }
0x79: {  	_ =	shalt  }
0x7a: {  	_ =	shalt  }
0x7b: {  	_ =	shalt  }
0x7c: {  	_ =	shalt  }
0x7d: {  	_ =	shalt  }
0x7e: {  	_ =	shalt  }
0x7f: {  	_ =	shalt  }
0x80: {  	_ =	shalt  }
0x81: {  	_ =	shalt  }
0x82: {  	_ =	shalt  }
0x83: {  	_ =	shalt  }
0x84: {  	_ =	shalt  }
0x85: {  	_ =	shalt  }
0x86: {  	_ =	shalt  }
0x87: {  	_ =	shalt  }
.Lfunc_end0:
.L_simem_size_0:
called_computation.1_lowered:
.L_overlay_start_0:
0x88: {  	s2 =	sld [smem:$0x3FD9]  }
0x89: {  	s3 =	sld [smem:$0x3FFE];
	_ =	sdelay $0x1  }
0x8a: {  	s1 =	srdreg.scid  }
0x8b: {  	s0 =	sand.u32 $0x1, s1  }
0x8c: {  	s17 =	sshll.u32 s0, $0xA;
	s2 =	sadd.s32 s3, s2  }
0x8d: {  	s2 =	sadd.s32 s2, s17  }
0x8e: {  	[smem:$0x3FC6] =	sst s2  }
0x8f: {  	_ = 	snop  }
0x90: {  	s2 =	sld [smem:$0x3FD0];
	(tm) =	ssettm $0x1  }
0x91: {  	s18 =	sld [smem:$0x3FFB];
	_ =	sdelay $0x3  }
0x92: {  	_ =	strace s18  }
0x93: {  	s3 =	sld [smem:$0x3FFC];
	_ =	sdelay $0x3  }
0x94: {  	_ =	strace s3  }
0x95: {  	s3 =	sld [smem:$0x3FFD];
	_ =	sdelay $0x3  }
0x96: {  	_ =	strace s3  }
0x97: {  	_ =	strace $0x8FFFFFFF  }
0x98: {  	s19 =	sld [smem:$0x3FDB];
	_ =	sdelay $0x1  }
0x99: {  	s4 =	simm.s32 $_scs_section_size  }
0x9a: {  	s5 =	simm.s32 $_size__tile_overlayer_lowered;
	s6 =	simm.s32 $_tile_overlayer_lowered  }
0x9b: {  	s22 =	simm.s32 $0x1BFF;
	s21 =	sshll.u32 s6, $0x1;
	s3 =	sadd.s32 s4, s19  }
0x9c: {  	s7 =	simm.s32 $0x0;
	s20 =	sshll.u32 s5, $0x1;
	s5 =	sadd.s32 s21, s3  }
0x9d: {  	[timem:s7], [sflag:s22] =	dma.local [hbm:s5], s20  }
0x9e: {  	_ =	swait.ge [sflag:s22], s20  }
0x9f: {  	s4 =	ssub.s32 $0x0, s20;
	[sflag:s22] =	ssyncset.done $0x0  }
0xa0: {  	[sflag:s22] =	ssyncadd.s32 s4;
	_ =	sdelay $0x1  }
0xa1: {  	s23 =	simm.s32 $0x1B8B  }
0xa2: {  	_ =	swait.ge [sflag:s23], $0x1  }
0xa3: {  	[sflag:s23] =	ssyncset.done $0x0  }
0xa4: {  	s25 =	simm.s32 $0x1B8E;
	s24 =	sld [smem:$0x3FFE];
	[sflag:s23] =	ssyncadd.s32 $0xFFFFFFFF  }
0xa5: {  	s26 =	simm.s32 $execute0_lowered;
	[smem:$0x3FD2] =	sst s25  }
0xa6: {  	s5 =	sshll.u32 s26, $0x1;
	_ =	strace $0x80000046;
	[dreg:$0x1] =	wrdreg $0xFFFFFFFF  }
0xa7: {  	s28 =	simm.s32 $_size_execute0_lowered;
	s3 =	sadd.s32 s3, s5;
	[dreg:$0x0] =	wrdreg $0x0  }
0xa8: {  	s5 =	sshll.u32 s28, $0x1;
	[dreg:$0x2] =	wrdreg s3  }
0xa9: {  	[dreg:$0x3] =	wrdreg s5  }
0xaa: {  	[dreg:$0x4] =	wrdreg $0xC0  }
0xab: {  	_ =	task [dreg:s7], $0x5FFFF  }
0xac: {  	[dreg:$0x1] =	wrdreg $0xFFFFFFFF  }
0xad: {  	[dreg:$0x0] =	wrdreg $0x60  }
0xae: {  	[dreg:$0x2] =	wrdreg s24  }
0xaf: {  	[dreg:$0x3] =	wrdreg s2  }
0xb0: {  	[dreg:$0x4] =	wrdreg $0x9  }
0xb1: {  	_ =	task.clear_ibuf [dreg:s7], $0x5FFFF;
	_ =	strace $0x90000046  }
0xb2: {  	s29 =	simm.s32 $0x9;
	_ =	strace $0x80000048  }
0xb3: {  	_ =	swait.ge [sflag:s29], $0x1  }
0xb4: {  	[sflag:s29] =	ssyncadd.s32 $0xFFFFFFFF  }
0xb5: {  	_ =	strace $0x90000048  }
0xb6: {  	_ =	sfence  }
0xb7: {  	s30 =	sld [smem:$0x0];
	_ =	sdelay $0x2  }
0xb8: {  	s31 =	sshll.u32 s1, $0xD;
	s1 =	sshrl.u32 s1, $0x2  }
0xb9: {  	s3 =	sand.u32 $0x4000, s31;
	s1 =	sadd.s32 s1, s30  }
0xba: {  	s0 =	sor.u32 s3, s0;
	s1 =	sshll.u32 s1, $0x11  }
0xbb: {  	s0 =	sor.u32 s1, s0  }
0xbc: {  	s0 =	sadd.s32 $0x8F2B, s0  }
0xbd: {  	[sflag:s0] =	ssyncadd.remote.s32 $0x1  }
0xbe: {  	_ =	sfence.sel $0xFFFF  }
0xbf: {  	[dreg:$0x0] =	wrdreg $0xFFFFFFFF;
	(pc) =	sbr.abs _section_cstart, $3  }
0xc0: {  	[dreg:$0x1] =	wrdreg $0xFFFFFFFF  }
0xc1: {  	_ =	task.clear_ibuf [dreg:s7], $0x2FFFF;
	_ =	strace $0x9FFFFFFF  }
0xc2: {  	(tm) =	ssettm $0x7FFFFFFF  }
0xc3: {  	_ =	shalt  }
tec
execute0_lowered:
.L_overlay_start_1:
0x0: {  	(tag) =	ssettag $0x1  }
0x1: {  	s0 =	srdreg.scid  }
0x2: {  	s1 =	rddreg [dreg:$0x0];
	s8 =	stileid.u32  }
0x3: {  	s3 =	simm.s32 $0x0;
	s13 =	simm.s32 $0x80;
	s15 =	simm.s32 $0x8400  }
0x4: {  	s17 =	simm.s32 $0xA400;
	s19 =	simm.s32 $0xC400;
	s21 =	simm.s32 $0xE400  }
0x5: {  	s23 =	simm.s32 $0x10400;
	s28 =	simm.s32 $0x14400;
	s29 =	simm.s32 $0x1  }
0x6: {  	s30 =	simm.s32 $0x2;
	s31 =	simm.s32 $0x3;
	s16 =	simm.s32 $0x7  }
0x7: {  	s18 =	simm.s32 $0x8;
	s20 =	simm.s32 $0x10;
	s6 =	smul.u32 $0xC8, s8  }
0x8: {  	s0 =	sand.u32 $0x1, s0;
	[smem:$0x7FF] =	sst s3;
	s26 =	smul.u32 $0x32000, s8  }
0x9: {  	s4 =	sadd.s32 $0xF42E00, s1;
	s2 =	sshll.u32 s0, $0x4;
	s5 =	smul.u32 $0xC80, s0  }
0xa: {  	s25 =	ssub.s32 $0x2, s0;
	s0 =	smul.u32 $0x320000, s0;
	s2 =	sor.u32 s8, s2  }
0xb: {  	_ =	strace $0x80000047;
	s7 =	sshrl.u32 s25, $0x1;
	s2 =	smul.u32 $0xC80, s2  }
0xc: {  	s5 =	sadd.s32 s6, s5;
	s11 =	sadd.s32 s26, s0;
	s0 =	simm.s32 $0x5  }
.Ltmp0:
0xd: {  	s5 =	sshll.u32 s5, $0xA;
	s2 =	sadd.s32 s2, s1;
	(pc) =	sbr.rel .LBB2_1-.Ltmp0, $4  }
0xe: {  	s1 =	ssub.s32 s25, s7;
	s8 =	sor.u32 $0x1800, s5;
	s9 =	sor.u32 $0x1000, s5  }
0xf: {  	s10 =	sor.u32 $0x800, s5;
	s25 =	simm.s32 $0x12400;
	s2 =	sadd.s32 $0xA00, s2  }
0x10: {  	s7 =	simm.s32 $0x0;
	s1 =	smax.u32 s1, $0x1;
	[dreg:$0x3] =	wrdreg s2  }
0x11: {  	[dreg:$0x4] =	wrdreg s1;
	s1 =	simm.s32 $0x4;
	s2 =	simm.s32 $0x6  }
.LBB2_4:
0x12: {  	s6 =	simm.s32 $0x9  }
0x13: {  	_ =	swait.ge [sflag:s6], $0x2000  }
0x14: {  	[sflag:s6] =	ssyncset.done $0x0  }
0x15: {  	s26 =	simm.s32 $0xA;
	[sflag:s6] =	ssyncadd.s32 $0xFFFFE000  }
0x16: {  	_ =	swait.ge [sflag:s26], $0x2000  }
0x17: {  	[sflag:s26] =	ssyncset.done $0x0  }
0x18: {  	s7 =	simm.s32 $0xB;
	[sflag:s26] =	ssyncadd.s32 $0xFFFFE000  }
0x19: {  	_ =	swait.ge [sflag:s7], $0x2000  }
0x1a: {  	[sflag:s7] =	ssyncset.done $0x0  }
0x1b: {  	s12 =	simm.s32 $0xC;
	[sflag:s7] =	ssyncadd.s32 $0xFFFFE000  }
0x1c: {  	_ =	swait.ge [sflag:s12], $0x2000  }
0x1d: {  	[sflag:s12] =	ssyncset.done $0x0  }
0x1e: {  	s14 =	simm.s32 $0xD;
	[sflag:s12] =	ssyncadd.s32 $0xFFFFE000  }
0x1f: {  	_ =	swait.ge [sflag:s14], $0x2000  }
0x20: {  	[sflag:s14] =	ssyncset.done $0x0  }
0x21: {  	s22 =	simm.s32 $0xE;
	[sflag:s14] =	ssyncadd.s32 $0xFFFFE000  }
0x22: {  	_ =	swait.ge [sflag:s22], $0x2000  }
0x23: {  	[sflag:s22] =	ssyncset.done $0x0  }
0x24: {  	s24 =	simm.s32 $0xF;
	[sflag:s22] =	ssyncadd.s32 $0xFFFFE000  }
0x25: {  	_ =	swait.ge [sflag:s24], $0x2000  }
0x26: {  	[sflag:s24] =	ssyncset.done $0x0  }
0x27: {  	[sflag:s24] =	ssyncadd.s32 $0xFFFFE000  }
0x28: {  	_ =	swait.ge [sflag:s20], $0x2000  }
0x29: {  	s7 =	rddreg [dreg:$0x5]  }
0x2a: {  	s26 =	rddreg [dreg:$0x4];
	s7 =	sadd.s32 $0x1, s7  }
0x2b: {  	p0 =	sne.s32 s7, s26  }
.Ltmp1:
0x2c: {  	_ = 	snop;
	(pc) =	sbr.rel @!p0 .LBB2_5-.Ltmp1, $3  }
0x2d: {  	_ =	sdelay $0x1  }
0x2e: {  	[sflag:s20] =	ssyncset.done $0x0  }
0x2f: {  	[sflag:s20] =	ssyncadd.s32 $0xFFFFE000  }
.LBB2_1:
0x30: {  	[dreg:$0x5] =	wrdreg s7  }
0x31: {  	s6 =	rddreg [dreg:$0x3];
	s24 =	simm.s32 $0x11  }
0x32: {  	[tilespmem:s3], [sflag:$0x11] =	stream.linear.gather [hbm4b:s6+s3], $0x6400, $0x38;
	[tilespmem:$0x16400] =	vst v63  }
0x33: {  	_ =	swait.ge [sflag:s24], $0x6400  }
0x34: {  	[sflag:s24] =	ssyncset.done $0x0  }
0x35: {  	s26 =	simm.s32 $0x6400;
	[sflag:s24] =	ssyncadd.s32 $0xFFFF9C00  }
0x36: {  	[tilespmem:s26], [sflag:$0x1] =	stream.indirect.gather [hbm4b:s4+s13], $0x40, s3, s13, $0xb8;
	[tilespmem:$0x16400] =	vst v63  }
0x37: {  	_ = 	snop  }
0x38: {  	[tilespmem:s15], [sflag:$0x2] =	stream.indirect.gather [hbm4b:s4+s13], $0x40, s13, s13, $0xb8;
	[tilespmem:$0x16400] =	vst v63  }
0x39: {  	s7 =	simm.s32 $0x100  }
0x3a: {  	[tilespmem:s17], [sflag:$0x3] =	stream.indirect.gather [hbm4b:s4+s13], $0x40, s7, s13, $0xb8;
	[tilespmem:$0x16400] =	vst v63  }
0x3b: {  	s12 =	simm.s32 $0x180  }
0x3c: {  	[tilespmem:s19], [sflag:$0x4] =	stream.indirect.gather [hbm4b:s4+s13], $0x40, s12, s13, $0xb8;
	[tilespmem:$0x16400] =	vst v63  }
0x3d: {  	s14 =	simm.s32 $0x200  }
0x3e: {  	[tilespmem:s21], [sflag:$0x5] =	stream.indirect.gather [hbm4b:s4+s13], $0x40, s14, s13, $0xb8;
	[tilespmem:$0x16400] =	vst v63  }
0x3f: {  	s22 =	simm.s32 $0x280  }
0x40: {  	[tilespmem:s23], [sflag:$0x6] =	stream.indirect.gather [hbm4b:s4+s13], $0x40, s22, s13, $0xb8;
	[tilespmem:$0x16400] =	vst v63  }
0x41: {  	s24 =	simm.s32 $0x300  }
0x42: {  	[tilespmem:s25], [sflag:$0x7] =	stream.indirect.gather [hbm4b:s4+s13], $0x40, s24, s13, $0xb8;
	[tilespmem:$0x16400] =	vst v63  }
0x43: {  	s26 =	simm.s32 $0x380  }
0x44: {  	[tilespmem:s28], [sflag:$0x8] =	stream.indirect.gather [hbm4b:s4+s13], $0x40, s26, s13, $0xb8;
	[tilespmem:$0x16400] =	vst v63  }
0x45: {  	s24 =	rddreg [dreg:$0x1];
	s26 =	simm.s32 $0x0  }
.LBB2_2:
0x46: {  	_ =	swait.ge [sflag:s29], $0x2000  }
0x47: {  	s6 =	sadd.s32 s24, s11;
	[sflag:s29] =	ssyncset.done $0x0  }
0x48: {  	s7 =	simm.s32 $0x6400;
	p0 =	seq.s32 s26, $0x18000;
	[sflag:s29] =	ssyncadd.s32 $0xFFFFE000  }
0x49: {  	[hbm4b:s6+s3] =	stream.linear.scatter [tilespmem:s7], [sflag:$0x9], $0x2000, $0x38;
	[tilespmem:$0x16400] =	vst v63  }
0x4a: {  	s6 =	simm.s32 @!p0 $0x9  }
0x4b: {  	_ =	swait.ge @!p0 [sflag:s6], $0x2000  }
0x4c: {  	[sflag:s6] =	ssyncset.done @!p0 $0x0  }
0x4d: {  	[sflag:s6] =	ssyncadd.s32 @!p0 $0xFFFFE000;
	s6 =	sshra.s32 @!p0 s26, $0x2  }
0x4e: {  	s22 =	simm.s32 @!p0 $0x6400;
	s7 =	simm.s32 @!p0 $0x80;
	s12 =	sadd.s32 @!p0 $0x400, s6  }
0x4f: {  	[tilespmem:s22], [sflag:$0x1] =	stream.indirect.gather @!p0 [hbm4b:s4+s7], $0x40, s12, s7, $0xb8;
	[tilespmem:$0x16400] =	vst v63  }
0x50: {  	_ =	swait.ge [sflag:s30], $0x2000  }
0x51: {  	s12 =	sadd.s32 s24, s5;
	[sflag:s30] =	ssyncset.done $0x0  }
0x52: {  	s22 =	simm.s32 @!p0 $0xA;
	s14 =	sadd.s32 $0x400, s12;
	[sflag:s30] =	ssyncadd.s32 $0xFFFFE000  }
0x53: {  	[hbm4b:s14+s3] =	stream.linear.scatter [tilespmem:s15], [sflag:$0xA], $0x2000, $0x38;
	[tilespmem:$0x16400] =	vst v63  }
0x54: {  	_ =	swait.ge @!p0 [sflag:s22], $0x2000  }
0x55: {  	[sflag:s22] =	ssyncset.done @!p0 $0x0  }
0x56: {  	s14 =	simm.s32 @!p0 $0x8400;
	[sflag:s22] =	ssyncadd.s32 @!p0 $0xFFFFE000;
	s22 =	sadd.s32 @!p0 $0x480, s6  }
0x57: {  	[tilespmem:s14], [sflag:$0x2] =	stream.indirect.gather @!p0 [hbm4b:s4+s7], $0x40, s22, s7, $0xb8;
	[tilespmem:$0x16400] =	vst v63  }
0x58: {  	_ =	swait.ge [sflag:s31], $0x2000  }
0x59: {  	[sflag:s31] =	ssyncset.done $0x0  }
0x5a: {  	s22 =	sadd.s32 s24, s10;
	s14 =	simm.s32 @!p0 $0xB;
	[sflag:s31] =	ssyncadd.s32 $0xFFFFE000  }
0x5b: {  	[hbm4b:s22+s3] =	stream.linear.scatter [tilespmem:s17], [sflag:$0xB], $0x2000, $0x38;
	[tilespmem:$0x16400] =	vst v63  }
0x5c: {  	_ =	swait.ge @!p0 [sflag:s14], $0x2000  }
0x5d: {  	[sflag:s14] =	ssyncset.done @!p0 $0x0  }
0x5e: {  	s22 =	simm.s32 @!p0 $0xA400;
	[sflag:s14] =	ssyncadd.s32 @!p0 $0xFFFFE000;
	s14 =	sadd.s32 @!p0 $0x500, s6  }
0x5f: {  	[tilespmem:s22], [sflag:$0x3] =	stream.indirect.gather @!p0 [hbm4b:s4+s7], $0x40, s14, s7, $0xb8;
	[tilespmem:$0x16400] =	vst v63  }
0x60: {  	_ =	swait.ge [sflag:s1], $0x2000  }
0x61: {  	[sflag:s1] =	ssyncset.done $0x0  }
0x62: {  	s22 =	sadd.s32 $0xC00, s12;
	s14 =	simm.s32 @!p0 $0xC;
	[sflag:s1] =	ssyncadd.s32 $0xFFFFE000  }
0x63: {  	[hbm4b:s22+s3] =	stream.linear.scatter [tilespmem:s19], [sflag:$0xC], $0x2000, $0x38;
	[tilespmem:$0x16400] =	vst v63  }
0x64: {  	_ =	swait.ge @!p0 [sflag:s14], $0x2000  }
0x65: {  	[sflag:s14] =	ssyncset.done @!p0 $0x0  }
0x66: {  	s22 =	simm.s32 @!p0 $0xC400;
	[sflag:s14] =	ssyncadd.s32 @!p0 $0xFFFFE000;
	s14 =	sadd.s32 @!p0 $0x580, s6  }
0x67: {  	[tilespmem:s22], [sflag:$0x4] =	stream.indirect.gather @!p0 [hbm4b:s4+s7], $0x40, s14, s7, $0xb8;
	[tilespmem:$0x16400] =	vst v63  }
0x68: {  	_ =	swait.ge [sflag:s0], $0x2000  }
0x69: {  	[sflag:s0] =	ssyncset.done $0x0  }
0x6a: {  	s22 =	sadd.s32 s24, s9;
	s14 =	simm.s32 @!p0 $0xD;
	[sflag:s0] =	ssyncadd.s32 $0xFFFFE000  }
0x6b: {  	[hbm4b:s22+s3] =	stream.linear.scatter [tilespmem:s21], [sflag:$0xD], $0x2000, $0x38;
	[tilespmem:$0x16400] =	vst v63  }
0x6c: {  	_ =	swait.ge @!p0 [sflag:s14], $0x2000  }
0x6d: {  	[sflag:s14] =	ssyncset.done @!p0 $0x0  }
0x6e: {  	s22 =	simm.s32 @!p0 $0xE400;
	[sflag:s14] =	ssyncadd.s32 @!p0 $0xFFFFE000;
	s14 =	sadd.s32 @!p0 $0x600, s6  }
0x6f: {  	[tilespmem:s22], [sflag:$0x5] =	stream.indirect.gather @!p0 [hbm4b:s4+s7], $0x40, s14, s7, $0xb8;
	[tilespmem:$0x16400] =	vst v63  }
0x70: {  	_ =	swait.ge [sflag:s2], $0x2000  }
0x71: {  	[sflag:s2] =	ssyncset.done $0x0  }
0x72: {  	s22 =	sadd.s32 $0x1400, s12;
	s14 =	simm.s32 @!p0 $0xE;
	[sflag:s2] =	ssyncadd.s32 $0xFFFFE000  }
0x73: {  	[hbm4b:s22+s3] =	stream.linear.scatter [tilespmem:s23], [sflag:$0xE], $0x2000, $0x38;
	[tilespmem:$0x16400] =	vst v63  }
0x74: {  	_ =	swait.ge @!p0 [sflag:s14], $0x2000  }
0x75: {  	[sflag:s14] =	ssyncset.done @!p0 $0x0  }
0x76: {  	s22 =	simm.s32 @!p0 $0x10400;
	[sflag:s14] =	ssyncadd.s32 @!p0 $0xFFFFE000;
	s14 =	sadd.s32 @!p0 $0x680, s6  }
0x77: {  	[tilespmem:s22], [sflag:$0x6] =	stream.indirect.gather @!p0 [hbm4b:s4+s7], $0x40, s14, s7, $0xb8;
	[tilespmem:$0x16400] =	vst v63  }
0x78: {  	_ =	swait.ge [sflag:s16], $0x2000  }
0x79: {  	[sflag:s16] =	ssyncset.done $0x0  }
0x7a: {  	s22 =	sadd.s32 s24, s8;
	s14 =	simm.s32 @!p0 $0xF;
	[sflag:s16] =	ssyncadd.s32 $0xFFFFE000  }
0x7b: {  	[hbm4b:s22+s3] =	stream.linear.scatter [tilespmem:s25], [sflag:$0xF], $0x2000, $0x38;
	[tilespmem:$0x16400] =	vst v63  }
0x7c: {  	_ =	swait.ge @!p0 [sflag:s14], $0x2000  }
0x7d: {  	[sflag:s14] =	ssyncset.done @!p0 $0x0  }
0x7e: {  	s6 =	sadd.s32 @!p0 $0x700, s6;
	[sflag:s14] =	ssyncadd.s32 @!p0 $0xFFFFE000;
	s14 =	simm.s32 @!p0 $0x12400  }
0x7f: {  	[tilespmem:s14], [sflag:$0x7] =	stream.indirect.gather @!p0 [hbm4b:s4+s7], $0x40, s6, s7, $0xb8;
	[tilespmem:$0x16400] =	vst v63  }
.Ltmp2:
0x80: {  	_ = 	snop;
	(pc) =	sbr.rel @p0 .LBB2_4-.Ltmp2, $4  }
0x81: {  	_ =	swait.ge [sflag:s18], $0x2000  }
0x82: {  	[sflag:s18] =	ssyncset.done $0x0  }
0x83: {  	s22 =	sadd.s32 $0x1C00, s12;
	[sflag:s18] =	ssyncadd.s32 $0xFFFFE000  }
0x84: {  	[hbm4b:s22+s3] =	stream.linear.scatter [tilespmem:s28], [sflag:$0x10], $0x2000, $0x38;
	[tilespmem:$0x16400] =	vst v63  }
.Ltmp3:
0x85: {  	(pc) =	sbr.rel .LBB2_2-.Ltmp3, $4  }
0x86: {  	_ =	swait.ge [sflag:s20], $0x2000  }
0x87: {  	s6 =	sshra.s32 s26, $0x2;
	s26 =	sadd.s32 $0x1000, s26;
	[sflag:s20] =	ssyncset.done $0x0  }
0x88: {  	s24 =	sadd.s32 $0x2000, s24;
	s6 =	sadd.s32 $0x780, s6;
	[sflag:s20] =	ssyncadd.s32 $0xFFFFE000  }
0x89: {  	[tilespmem:s28], [sflag:$0x8] =	stream.indirect.gather [hbm4b:s4+s13], $0x40, s6, s13, $0xb8;
	[tilespmem:$0x16400] =	vst v63  }
.LBB2_5:
0x8a: {  	_ =	sfence.sel $0x180000  }
0x8b: {  	[bflag:$0x0] =	sbarrier.arrive $0xFFFF  }
0x8c: {  	_ =	strace $0x90000047  }
0x8d: {  	s0 =	stileid.u32;
	[bflag:$0x2] =	sbarrier.arrive $0xFFFF  }
0x8e: {  	p0 =	sne.s32 s0, $0x0;
	s0 =	rddreg [dreg:$0x2]  }
0x8f: {  	s0 =	sadd.s32 @!p0 $0x100000, s0  }
0x90: {  	[sflag:s0] =	ssyncadd.tile.s32 @!p0 $0x1;
	_ =	shalt  }
.Lfunc_end2:
_tile_overlayer_lowered:
.L_overlay_start_2:
0x91: {  	(tag) =	ssettag $0x2  }
0x92: {  	s0 =	rddreg [dreg:$0x0];
	s2 =	stileid.u32  }
0x93: {  	s1 =	rddreg [dreg:$0x1];
	p0 =	sne.s32 s2, $0x0  }
0x94: {  	s3 =	rddreg [dreg:$0x2];
	[bflag:$0x3] =	sbarrier.arrive $0xFFFF;
	s2 =	simm.s32 @!p0 $0x1C11  }
0x95: {  	[timem:s3], [sflag:s2] =	dma.local @!p0 [hbm:s0], s1  }
0x96: {  	s0 =	simm.s32 @!p0 $0x11  }
0x97: {  	_ =	swait.ge @!p0 [sflag:s0], s1  }
0x98: {  	s1 =	ssub.s32 @!p0 $0x0, s1;
	[sflag:s0] =	ssyncset.done @!p0 $0x0  }
0x99: {  	[sflag:s0] =	ssyncadd.s32 @!p0 s1  }
0x9a: {  	[bflag:$0x3] =	sbarrier.arrive $0xFFFF  }
0x9b: {  	_ =	shalt  }

// kernel: sparse-core-data-format-call.cloned.1.call-start
scs
called_computation_lowered:
.L_overlay_start_0:
0x0: {  	s2 =	sld [smem:$0x3FD9]  }
0x1: {  	s3 =	sld [smem:$0x3FFE];
	_ =	sdelay $0x1  }
0x2: {  	s1 =	srdreg.scid  }
0x3: {  	s0 =	sand.u32 $0x1, s1  }
0x4: {  	s18 =	sshll.u32 s0, $0xA;
	s2 =	sadd.s32 s3, s2  }
0x5: {  	s2 =	sadd.s32 s2, s18  }
0x6: {  	[smem:$0x3FC6] =	sst s2  }
0x7: {  	_ = 	snop  }
0x8: {  	s2 =	sld [smem:$0x3FD0];
	(tm) =	ssettm $0x1  }
0x9: {  	s19 =	sld [smem:$0x3FFB];
	_ =	sdelay $0x3  }
0xa: {  	_ =	strace s19  }
0xb: {  	s3 =	sld [smem:$0x3FFC];
	_ =	sdelay $0x3  }
0xc: {  	_ =	strace s3  }
0xd: {  	s3 =	sld [smem:$0x3FFD];
	_ =	sdelay $0x3  }
0xe: {  	_ =	strace s3  }
0xf: {  	_ =	strace $0x8FFFFFFF  }
0x10: {  	s20 =	sld [smem:$0x3FDB];
	_ =	sdelay $0x1  }
0x11: {  	s4 =	simm.s32 $_scs_section_size  }
0x12: {  	s5 =	simm.s32 $_size__tile_overlayer_lowered;
	s6 =	simm.s32 $_tile_overlayer_lowered  }
0x13: {  	s23 =	simm.s32 $0x1BFF;
	s22 =	sshll.u32 s6, $0x1;
	s3 =	sadd.s32 s4, s20  }
0x14: {  	s7 =	simm.s32 $0x0;
	s21 =	sshll.u32 s5, $0x1;
	s5 =	sadd.s32 s22, s3  }
0x15: {  	[timem:s7], [sflag:s23] =	dma.local [hbm:s5], s21  }
0x16: {  	_ =	swait.ge [sflag:s23], s21  }
0x17: {  	s4 =	ssub.s32 $0x0, s21;
	[sflag:s23] =	ssyncset.done $0x0  }
0x18: {  	[sflag:s23] =	ssyncadd.s32 s4;
	_ =	sdelay $0x1  }
0x19: {  	s24 =	simm.s32 $0x1B8B  }
0x1a: {  	_ =	swait.ge [sflag:s24], $0x1  }
0x1b: {  	[sflag:s24] =	ssyncset.done $0x0  }
0x1c: {  	s26 =	simm.s32 $0x1B8E;
	s25 =	sld [smem:$0x3FFE];
	[sflag:s24] =	ssyncadd.s32 $0xFFFFFFFF  }
0x1d: {  	s27 =	simm.s32 $execute0_lowered;
	[smem:$0x3FD2] =	sst s26  }
0x1e: {  	s5 =	sshll.u32 s27, $0x1;
	_ =	strace $0x80000049;
	[dreg:$0x1] =	wrdreg $0xFFFFFFFF  }
0x1f: {  	s28 =	simm.s32 $_size_execute0_lowered;
	s3 =	sadd.s32 s3, s5;
	[dreg:$0x0] =	wrdreg $0x0  }
0x20: {  	s5 =	sshll.u32 s28, $0x1;
	[dreg:$0x2] =	wrdreg s3  }
0x21: {  	[dreg:$0x3] =	wrdreg s5  }
0x22: {  	[dreg:$0x4] =	wrdreg $0xC0  }
0x23: {  	_ =	task [dreg:s7], $0x5FFFF  }
0x24: {  	[dreg:$0x1] =	wrdreg $0xFFFFFFFF  }
0x25: {  	[dreg:$0x0] =	wrdreg $0x60  }
0x26: {  	[dreg:$0x2] =	wrdreg s25  }
0x27: {  	[dreg:$0x3] =	wrdreg s2  }
0x28: {  	[dreg:$0x4] =	wrdreg $0x9  }
0x29: {  	_ =	task.clear_ibuf [dreg:s7], $0x5FFFF;
	_ =	strace $0x90000049  }
0x2a: {  	s29 =	simm.s32 $0x9;
	_ =	strace $0x8000004B  }
0x2b: {  	_ =	swait.ge [sflag:s29], $0x1  }
0x2c: {  	[sflag:s29] =	ssyncadd.s32 $0xFFFFFFFF  }
0x2d: {  	_ =	strace $0x9000004B  }
0x2e: {  	_ =	sfence  }
0x2f: {  	s30 =	sld [smem:$0x0];
	_ =	sdelay $0x2  }
0x30: {  	s31 =	sshll.u32 s1, $0xD;
	s1 =	sshrl.u32 s1, $0x2  }
0x31: {  	s3 =	sand.u32 $0x4000, s31;
	s1 =	sadd.s32 s1, s30  }
0x32: {  	s0 =	sor.u32 s3, s0;
	s1 =	sshll.u32 s1, $0x11  }
0x33: {  	s0 =	sor.u32 s1, s0  }
0x34: {  	s0 =	sadd.s32 $0x8F2B, s0  }
0x35: {  	[sflag:s0] =	ssyncadd.remote.s32 $0x1  }
0x36: {  	_ =	sfence.sel $0xFFFF  }
0x37: {  	[dreg:$0x0] =	wrdreg $0xFFFFFFFF;
	(pc) =	sbr.abs _section_cstart, $3  }
0x38: {  	[dreg:$0x1] =	wrdreg $0xFFFFFFFF  }
0x39: {  	_ =	task.clear_ibuf [dreg:s7], $0x2FFFF;
	_ =	strace $0x9FFFFFFF  }
0x3a: {  	(tm) =	ssettm $0x7FFFFFFF  }
0x3b: {  	_ =	shalt  }
tec
execute0_lowered:
.L_overlay_start_1:
0x0: {  	(tag) =	ssettag $0x1  }
0x1: {  	s0 =	srdreg.scid  }
0x2: {  	s1 =	sshll.u32 s0, $0x4  }
0x3: {  	s0 =	stileid.u32;
	s1 =	sand.u32 $0x10, s1  }
0x4: {  	s1 =	sor.u32 s0, s1  }
0x5: {  	s6 =	rddreg [dreg:$0x0];
	s4 =	simm.s32 $0x1;
	s2 =	sshll.u32 s1, $0x7  }
0x6: {  	s7 =	simm.s32 $0x2;
	s12 =	simm.s32 $0x0;
	s1 =	ssub.s32 $0x1000, s2  }
0x7: {  	s8 =	simm.s32 $0x8000;
	s13 =	simm.s32 $0x0;
	s3 =	sand.u32 $0xF80, s1  }
0x8: {  	s9 =	simm.s32 $0x0;
	s5 =	sshrl.u32 s1, $0xC;
	p0 =	sne.s32 s3, $0x0  }
.Ltmp0:
0x9: {  	s1 =	rddreg [dreg:$0x2];
	s4 =	simm.s32 @!p0 $0x0;
	(pc) =	sbr.rel .LBB1_1-.Ltmp0, $4  }
0xa: {  	s11 =	simm.s32 $0x0;
	s3 =	rddreg [dreg:$0x1];
	s5 =	sadd.s32 s4, s5  }
0xb: {  	_ =	strace $0x8000004A;
	s4 =	simm.s32 $0x1;
	s5 =	smul.u32 $0xC8, s5  }
0xc: {  	s6 =	sadd.s32 $0xA00, s6;
	s10 =	smov.u32 s2;
	[sflag:s4] =	ssyncpa.u1 $0x0  }
0xd: {  	p0 =	por $0x0, $0x0;
	[sflag:s7] =	ssyncpa.u1 $0x0;
	s7 =	sor.u32 $0x1, s5  }
.LBB1_4:
0xe: {  	s16 =	sshll.u32 s13, $0x3;
	s17 =	sand.u32 $0x78, s13  }
0xf: {  	s30 =	sand.u32 $0x7E00, s13;
	s12 =	sshll.u32 s12, $0xF;
	s16 =	sand.u32 $0xC00, s16  }
0x10: {  	[tilespmem:s15+$0x810 ss:$0x81] =	vst.msk $0xffff, v2;
	s31 =	sand.u32 $0x7, s13;
	s16 =	sor.u32 s17, s16;
	s17 =	sadd.s32 s3, s30  }
0x11: {  	[tilespmem:s15+$0x1020 ss:$0x81] =	vst.msk $0xffff, v0;
	s13 =	sshll.u32 s31, $0x12;
	s12 =	sadd.s32 s12, s17;
	s16 =	sshrl.u32 s16, $0x3  }
0x12: {  	[tilespmem:s15+$0x0 ss:$0x81] =	vst.msk $0xffff, v1;
	s13 =	sor.u32 $0x400, s13;
	s12 =	sadd.s32 s16, s12  }
0x13: {  	[hbm4b:s12+s13] =	stream.strided.scatter [tilespmem:s14], [sflag:$0x2], $0x2000, s8, s13, $0x20;
	[tilespmem:$0x8080] =	vst v63  }
.LBB1_5:
0x14: {  	s14 =	sadd.s32 $0x1, s9  }
0x15: {  	s12 =	sadd.s32 $0x1000, s10;
	s16 =	smov.u32 s10;
	p2 =	sgt.s32 s14, $0xC7  }
0x16: {  	s16 =	smov.u32 @p2 s12  }
0x17: {  	s14 =	simm.s32 @p2 $0x0;
	p2 =	sgt.s32 s16, $0xFFF  }
0x18: {  	s16 =	smov.u32 @p2 s2;
	p2 =	sne.s32 s11, s7  }
.Ltmp1:
0x19: {  	p1 =	slt.u32 s11, $0x2;
	(pc) =	sbr.rel @!p2 .LBB1_6-.Ltmp1, $4  }
0x1a: {  	s15 =	simm.s32 @!p1 $0x2  }
0x1b: {  	s13 =	smov.u32 s10;
	p0 =	por !p0, !p0;
	_ =	swait.ge @!p1 [sflag:s15], $0x2000  }
0x1c: {  	s12 =	smov.u32 s9;
	[sflag:s15] =	ssyncset.done @!p1 $0x0;
	s9 =	smov.u32 s14  }
0x1d: {  	s11 =	sadd.s32 $0x1, s11;
	[sflag:s15] =	ssyncadd.s32 @!p1 $0xFFFFE000;
	s10 =	smov.u32 s16  }
.LBB1_1:
0x1e: {  	p1 =	sge.u32 s11, s5  }
0x1f: {  	s14 =	sand.u32 @!p1 $0x1FFFFFF, s9  }
0x20: {  	s15 =	smulhi.u32 @!p1 $0x147AE15, s14;
	_ =	sdelay $0x1  }
0x21: {  	s15 =	smul.u32 @!p1 $0xC8, s15  }
0x22: {  	s16 =	sxor.u32 @!p1 $0xFFFFFFFF, s11;
	s17 =	smul.u32 @!p1 $0xC80, s10  }
0x23: {  	s31 =	sadd.s32 $0xFFFFFFFF, s11;
	s16 =	sshll.u32 @!p1 s16, $0xD;
	s14 =	ssub.s32 @!p1 s14, s15  }
0x24: {  	s15 =	sand.u32 @!p1 $0x2000, s16;
	s16 =	sadd.s32 @!p1 s6, s17;
	s14 =	sshll.u32 @!p1 s14, $0x4  }
0x25: {  	s17 =	simm.s32 @!p1 $0x6400;
	s14 =	sadd.s32 @!p1 s14, s16;
	s16 =	simm.s32 @!p1 $0x40  }
0x26: {  	[tilespmem:s15], [sflag:$0x1] =	stream.strided.gather @!p1 [hbm4b:s14+s16], $0x2000, s17, s16, $0x38;
	[tilespmem:$0x8080] =	vst v63  }
0x27: {  	p1 =	sge.u32 s31, s5  }
.Ltmp2:
0x28: {  	_ = 	snop;
	(pc) =	sbr.rel @p1 .LBB1_5-.Ltmp2, $1  }
0x29: {  	_ =	sdelay $0x3  }
0x2a: {  	s14 =	simm.s32 $0x1  }
0x2b: {  	_ =	swait.ge [sflag:s4], $0x2000;
	s14 =	simm.s32 @!p0 $0x0  }
0x2c: {  	[sflag:s4] =	ssyncset.done $0x0;
	s15 =	sshll.u32 s14, $0xD  }
0x2d: {  	[sflag:s4] =	ssyncadd.s32 $0xFFFFE000;
	s18 =	sor.u32 $0x20, s15  }
0x2e: {  	s14 =	smul.u32 $0x8100, s14;
	v3 =	vld [tilespmem:s18+$0x10]  }
0x2f: {  	s30 =	sand.u32 $0x1, s11;
	v2 =	vld [tilespmem:s18+$0xFFFFFFF0]  }
0x30: {  	s15 =	smul.u32 $0x8100, s30;
	s14 =	sshrl.u32 s14, $0x2;
	v0 =	vld [tilespmem:s18+$0x0]  }
0x31: {  	v1 =	vld [tilespmem:s18+$0xFFFFFFE0];
	s16 =	sor.u32 $0x4000, s14  }
0x32: {  	s31 =	sshrl.u32 s15, $0x2;
	s15 =	sadd.s32 $0x0, s16  }
0x33: {  	s17 =	simm.s32 $0x4;
	s18 =	sadd.s32 $0x40, s18;
	s14 =	sor.u32 $0x4000, s31;
	[tilespmem:s15+$0x1830 ss:$0x81] =	vst.msk $0xffff, v3  }
.LBB1_3:
0x34: {  	v3 =	vld [tilespmem:s18+$0x10];
	p1 =	sne.s32 s17, $0x1FC;
	[tilespmem:s15+$0x810 ss:$0x81] =	vst.msk $0xffff, v2;
	s19 =	smov.u32 s17;
	s17 =	sadd.s32 $0x4, s17  }
.Ltmp3:
0x35: {  	v2 =	vld [tilespmem:s18+$0xFFFFFFF0];
	[tilespmem:s15+$0x1020 ss:$0x81] =	vst.msk $0xffff, v0;
	(pc) =	sbr.rel @p1 .LBB1_3-.Ltmp3, $4  }
0x36: {  	v0 =	vld [tilespmem:s18+$0x0];
	[tilespmem:s15+$0x0 ss:$0x81] =	vst.msk $0xffff, v1  }
0x37: {  	s15 =	sshra.s32 s19, $0x2;
	v1 =	vld [tilespmem:s18+$0xFFFFFFE0]  }
0x38: {  	s15 =	sadd.s32 s15, s16  }
0x39: {  	s18 =	sadd.s32 $0x40, s18;
	[tilespmem:s15+$0x1830 ss:$0x81] =	vst.msk $0xffff, v3  }
.Ltmp4:
0x3a: {  	_ = 	snop;
	(pc) =	sbr.rel .LBB1_4-.Ltmp4, $1  }
0x3b: {  	_ =	sdelay $0x3  }
.LBB1_6:
0x3c: {  	_ =	sfence.sel $0x180000  }
0x3d: {  	s2 =	simm.s32 $0x1;
	[bflag:$0x0] =	sbarrier.arrive $0xFFFF  }
0x3e: {  	s31 =	simm.s32 $0x2;
	[sflag:s2] =	ssyncpa.u1 $0x1  }
0x3f: {  	[sflag:s31] =	ssyncpa.u1 $0x1  }
0x40: {  	p0 =	sne.s32 s0, $0x0;
	_ =	strace $0x9000004A  }
0x41: {  	s0 =	sadd.s32 @!p0 $0x100000, s1;
	[bflag:$0x2] =	sbarrier.arrive $0xFFFF  }
0x42: {  	[sflag:s0] =	ssyncadd.tile.s32 @!p0 $0x1;
	_ =	shalt  }
.Lfunc_end1:
_tile_overlayer_lowered:
.L_overlay_start_2:
0x43: {  	(tag) =	ssettag $0x2  }
0x44: {  	s0 =	rddreg [dreg:$0x0];
	s2 =	stileid.u32  }
0x45: {  	s1 =	rddreg [dreg:$0x1];
	p0 =	sne.s32 s2, $0x0  }
0x46: {  	s3 =	rddreg [dreg:$0x2];
	[bflag:$0x3] =	sbarrier.arrive $0xFFFF;
	s2 =	simm.s32 @!p0 $0x1C01  }
0x47: {  	[timem:s3], [sflag:s2] =	dma.local @!p0 [hbm:s0], s1  }
0x48: {  	s0 =	simm.s32 @!p0 $0x1  }
0x49: {  	_ =	swait.ge @!p0 [sflag:s0], s1  }
0x4a: {  	s1 =	ssub.s32 @!p0 $0x0, s1;
	[sflag:s0] =	ssyncset.done @!p0 $0x0  }
0x4b: {  	[sflag:s0] =	ssyncadd.s32 @!p0 s1  }
0x4c: {  	[bflag:$0x3] =	sbarrier.arrive $0xFFFF  }
0x4d: {  	_ =	shalt  }

</sc_bundles>
